<compile_context>
chip_gen: v7x
topology: tpu7x:2x2x1
jax: 0.10.2.dev20260603
libtpu: 0.0.44.dev20260713+nightly
codegen_flags: <defaults>
</compile_context>

<pallas_src>
import jax
import jax.numpy as jnp
from jax import lax
from jax.experimental import pallas as pl
from jax.experimental.pallas import tpu as pltpu
from jax.experimental.pallas import tpu_sc as plsc

N = 100000
E = 3200000
NC = 2
NS = 16
NW = NC * NS
BLK_E = 512
NBLK = 196
EW = NBLK * BLK_E
E_PAD = NW * EW
ACC_R = 100096
ZR = ACC_R // NS


def _sc_aggregate_body(t_hbm, s_hbm, d_hbm, out_hbm,
                       sA, dA, rowsA, sB, dB, rowsB, acc,
                       gsA, gsB, ssA, ssB, isA, isB):
    cid = lax.axis_index("c")
    sid = lax.axis_index("s")
    wid = sid * NC + cid

    def zrow(i, carry):
        rowsA[i] = jnp.zeros((16,), jnp.float32)
        return carry
    lax.fori_loop(0, BLK_E, zrow, 0)
    base = sid * ZR
    for k in range(ZR // BLK_E):
        pltpu.sync_copy(rowsA, acc.at[pl.ds(base + k * BLK_E, BLK_E)])
    rem = ZR % BLK_E
    if rem:
        pltpu.sync_copy(rowsA.at[pl.ds(0, rem)],
                        acc.at[pl.ds(base + (ZR // BLK_E) * BLK_E, rem)])
    plsc.subcore_barrier()

    ebase = wid * ((NBLK + 2) * BLK_E)

    def fire_idx(b, sbuf, dbuf, isem):
        pltpu.async_copy(s_hbm.at[pl.ds(ebase + b * BLK_E, BLK_E)], sbuf, isem)
        pltpu.async_copy(d_hbm.at[pl.ds(ebase + b * BLK_E, BLK_E)], dbuf, isem)

    def wait_idx(b, sbuf, dbuf, isem):
        pltpu.make_async_copy(s_hbm.at[pl.ds(ebase + b * BLK_E, BLK_E)], sbuf, isem).wait()
        pltpu.make_async_copy(d_hbm.at[pl.ds(ebase + b * BLK_E, BLK_E)], dbuf, isem).wait()

    def fire_g(sbuf, rows, gs):
        pltpu.async_copy(t_hbm.at[sbuf], rows, gs)

    def wait_gathers(sbuf, rows, gs):
        pltpu.make_async_copy(t_hbm.at[sbuf], rows, gs).wait()

    def scatter_drain(dbuf, rows, ss):
        pltpu.async_copy(rows, acc.at[dbuf], ss, add=True)
        pltpu.make_async_copy(rows, acc.at[dbuf], ss).wait()

    fire_idx(0, sA, dA, isA)
    wait_idx(0, sA, dA, isA)
    fire_g(sA, rowsA, gsA)
    fire_idx(1, sB, dB, isB)

    def pair(p, carry):
        b0 = 2 * p
        wait_idx(b0 + 1, sB, dB, isB)
        fire_g(sB, rowsB, gsB)
        wait_gathers(sA, rowsA, gsA)
        scatter_drain(dA, rowsA, ssA)
        fire_idx(b0 + 2, sA, dA, isA)
        wait_gathers(sB, rowsB, gsB)
        scatter_drain(dB, rowsB, ssB)
        fire_idx(b0 + 3, sB, dB, isB)
        wait_idx(b0 + 2, sA, dA, isA)
        fire_g(sA, rowsA, gsA)
        return carry

    lax.fori_loop(0, NBLK // 2, pair, 0)
    wait_gathers(sA, rowsA, gsA)
    wait_idx(NBLK + 1, sB, dB, isB)

    plsc.subcore_barrier()
    pltpu.sync_copy(acc.at[pl.ds(sid * ZR, ZR)],
                    out_hbm.at[cid].at[pl.ds(sid * ZR, ZR)])


def _sc_aggregate(table, src_hbm, dst_hbm):
    mesh = plsc.VectorSubcoreMesh(core_axis_name="c", subcore_axis_name="s")
    f = pl.kernel(
        _sc_aggregate_body,
        out_type=jax.ShapeDtypeStruct((NC, ACC_R, 16), jnp.float32),
        mesh=mesh,
        compiler_params=pltpu.CompilerParams(use_tc_tiling_on_sc=False),
        scratch_types=[
            pltpu.VMEM((BLK_E,), jnp.int32),
            pltpu.VMEM((BLK_E,), jnp.int32),
            pltpu.VMEM((BLK_E, 16), jnp.float32),
            pltpu.VMEM((BLK_E,), jnp.int32),
            pltpu.VMEM((BLK_E,), jnp.int32),
            pltpu.VMEM((BLK_E, 16), jnp.float32),
            pltpu.VMEM_SHARED((ACC_R, 16), jnp.float32),
            pltpu.SemaphoreType.DMA,
            pltpu.SemaphoreType.DMA,
            pltpu.SemaphoreType.DMA,
            pltpu.SemaphoreType.DMA,
            pltpu.SemaphoreType.DMA,
            pltpu.SemaphoreType.DMA,
        ],
    )
    return f(table, src_hbm, dst_hbm)


ROWS128 = ACC_R // 8
_BN = ROWS128 // 4


def _tc_layer1_body(p_ref, t_ref, s1_ref, wl_ref, wr_ref, b_ref, h_ref):
    s = p_ref[0] + p_ref[1]
    cnt = jnp.maximum(
        jnp.dot(s, s1_ref[...], preferred_element_type=jnp.float32), 1.0)
    mean = s / cnt
    h = (jnp.dot(mean, wl_ref[...], preferred_element_type=jnp.float32)
         + jnp.dot(t_ref[...], wr_ref[...], preferred_element_type=jnp.float32)
         + b_ref[...])
    h_ref[...] = jnp.maximum(h, 0.0)


def _tc_layer2_body(p2_ref, p1_ref, h_ref, s1_ref, wl_ref, wr_ref, b_ref, o_ref):
    s1 = p1_ref[0] + p1_ref[1]
    cnt = jnp.maximum(
        jnp.dot(s1, s1_ref[...], preferred_element_type=jnp.float32), 1.0)
    s2 = p2_ref[0] + p2_ref[1]
    o_ref[...] = (jnp.dot(s2 / cnt, wl_ref[...], preferred_element_type=jnp.float32)
                  + jnp.dot(h_ref[...], wr_ref[...], preferred_element_type=jnp.float32)
                  + b_ref[...])


def _tc_layer1(p1, table1, S1, WLbd, WRbd, b1t):
    return pl.pallas_call(
        _tc_layer1_body,
        grid=(ROWS128 // _BN,),
        in_specs=[
            pl.BlockSpec((NC, _BN, 128), lambda i: (0, i, 0)),
            pl.BlockSpec((_BN, 128), lambda i: (i, 0)),
            pl.BlockSpec((128, 128), lambda i: (0, 0)),
            pl.BlockSpec((128, 128), lambda i: (0, 0)),
            pl.BlockSpec((128, 128), lambda i: (0, 0)),
            pl.BlockSpec((1, 128), lambda i: (0, 0)),
        ],
        out_specs=pl.BlockSpec((_BN, 128), lambda i: (i, 0)),
        out_shape=jax.ShapeDtypeStruct((ROWS128, 128), jnp.float32),
    )(p1, table1, S1, WLbd, WRbd, b1t)


def _tc_layer2(p2, p1, h, S1, WLbd, WRbd, b2t):
    return pl.pallas_call(
        _tc_layer2_body,
        grid=(ROWS128 // _BN,),
        in_specs=[
            pl.BlockSpec((NC, _BN, 128), lambda i: (0, i, 0)),
            pl.BlockSpec((NC, _BN, 128), lambda i: (0, i, 0)),
            pl.BlockSpec((_BN, 128), lambda i: (i, 0)),
            pl.BlockSpec((128, 128), lambda i: (0, 0)),
            pl.BlockSpec((128, 128), lambda i: (0, 0)),
            pl.BlockSpec((128, 128), lambda i: (0, 0)),
            pl.BlockSpec((1, 128), lambda i: (0, 0)),
        ],
        out_specs=pl.BlockSpec((_BN, 128), lambda i: (i, 0)),
        out_shape=jax.ShapeDtypeStruct((ROWS128, 128), jnp.float32),
    )(p2, p1, h, S1, WLbd, WRbd, b2t)


def kernel(x, edge_index, W1_l, b1, W1_r, W2_l, b2, W2_r):
    src = edge_index[0]
    dst = edge_index[1]
    pad = E_PAD - E
    src_p = jnp.concatenate([src, jnp.zeros((pad,), jnp.int32)])
    dst_p = jnp.concatenate([dst, jnp.full((pad,), N, jnp.int32)])
    s3 = jnp.pad(src_p.reshape(NW, NBLK, BLK_E), ((0, 0), (0, 2), (0, 0)))
    d3 = jnp.pad(dst_p.reshape(NW, NBLK, BLK_E), ((0, 0), (0, 2), (0, 0)))
    src_flat = s3.reshape(-1)
    dst_flat = d3.reshape(-1)

    xr = x.reshape(N // 8, 8, 8)
    t1g = jnp.concatenate(
        [xr, jnp.ones((N // 8, 8, 1), jnp.float32),
         jnp.zeros((N // 8, 8, 7), jnp.float32)], axis=2)
    table1_128 = jnp.pad(t1g.reshape(N // 8, 128),
                         ((0, ROWS128 - N // 8), (0, 0)))

    eye8 = jnp.eye(8, dtype=jnp.float32)
    W1l_pad = jnp.concatenate([W1_l, jnp.zeros((8, 16), jnp.float32)], axis=0)
    W1r_pad = jnp.concatenate([W1_r, jnp.zeros((8, 16), jnp.float32)], axis=0)
    S16 = jnp.zeros((16, 16), jnp.float32).at[8, :].set(1.0)
    S1 = jnp.kron(eye8, S16)
    WL1 = jnp.kron(eye8, W1l_pad)
    WR1 = jnp.kron(eye8, W1r_pad)
    WL2 = jnp.kron(eye8, W2_l)
    WR2 = jnp.kron(eye8, W2_r)
    b1t = jnp.tile(b1, 8).reshape(1, 128)
    b2t = jnp.tile(b2, 8).reshape(1, 128)

    p1 = _sc_aggregate(table1_128.reshape(ACC_R, 16), src_flat, dst_flat)
    p1_128 = p1.reshape(NC, ROWS128, 128)
    h128 = _tc_layer1(p1_128, table1_128, S1, WL1, WR1, b1t)
    p2 = _sc_aggregate(h128.reshape(ACC_R, 16), src_flat, dst_flat)
    p2_128 = p2.reshape(NC, ROWS128, 128)
    out128 = _tc_layer2(p2_128, p1_128, h128, S1, WL2, WR2, b2t)
    return out128.reshape(ACC_R, 16)[:N]

# --- scband reference (transcript-rebuilt; emitter-appended) ---
"""Pipeline reference for scband-my-model-7816840479210 (READ-ONLY COPY).

The authoritative reference and input builder live on the scoring server;
editing this copy changes nothing except your own understanding.
"""

import jax, jax.numpy as jnp
import numpy as np

N = 100000
E = 3200000
D_IN = 8
D_HID = 16


def setup_inputs(seed: int = 0) -> dict:
    key = jax.random.key(seed)
    ks = jax.random.split(key, 9)
    x = jax.random.normal(ks[0], (N, D_IN), dtype=jnp.float32)
    edge_index = jax.random.randint(ks[1], (2, E), 0, N, dtype=jnp.int32)
    s1 = 1.0 / np.sqrt(D_IN)
    s2 = 1.0 / np.sqrt(D_HID)
    W1_l = jax.random.normal(ks[2], (D_IN, D_HID), dtype=jnp.float32) * s1
    W1_r = jax.random.normal(ks[3], (D_IN, D_HID), dtype=jnp.float32) * s1
    b1 = jnp.zeros((D_HID,), dtype=jnp.float32)
    W2_l = jax.random.normal(ks[4], (D_HID, D_HID), dtype=jnp.float32) * s2
    W2_r = jax.random.normal(ks[5], (D_HID, D_HID), dtype=jnp.float32) * s2
    b2 = jnp.zeros((D_HID,), dtype=jnp.float32)
    return {"x": x, "edge_index": edge_index, "W1_l": W1_l, "b1": b1, "W1_r": W1_r, "W2_l": W2_l, "b2": b2, "W2_r": W2_r}


def _sage_conv(x, edge_index, W_l, b_l, W_r):
    # PyG SAGEConv with mean aggregation:
    #   out = lin_l(mean_{j in N(i)} x_j) + lin_r(x_i)
    # lin_l has bias, lin_r has no bias (PyG default).
    src = edge_index[0]
    dst = edge_index[1]
    n = x.shape[0]
    msg = jnp.take(x, src, axis=0)                                  # gather x_j
    agg = jax.ops.segment_sum(msg, dst, num_segments=n)             # scatter-add to dst
    cnt = jax.ops.segment_sum(jnp.ones((edge_index.shape[1], 1), x.dtype), dst, num_segments=n)
    mean = agg / jnp.clip(cnt, 1.0)                                 # mean aggregation (0 for isolated nodes)
    return mean @ W_l + b_l + x @ W_r


def reference(x, edge_index, W1_l, b1, W1_r, W2_l, b2, W2_r):
    h = jax.nn.relu(_sage_conv(x, edge_index, W1_l, b1, W1_r))
    out = _sage_conv(h, edge_index, W2_l, b2, W2_r)
    return out

if __name__ == "__main__":
    import jax
    _d = setup_inputs()
    print(jax.jit(kernel)(*tuple(_d.values())))

</pallas_src>

<mosaic_0001>
#map = affine_map<(d0, d1) -> (0, 0)>
#map1 = affine_map<(d0, d1) -> (0)>
#map2 = affine_map<(d0, d1) -> (0, 0, 0)>
module attributes {stable_mosaic.version = 14 : i64} {
  func.func @_sc_aggregate_body(%arg0: i32, %arg1: i32, %arg2: memref<100096x16xf32, #tpu.memory_space<hbm>>, %arg3: memref<3244032xi32, #tpu.memory_space<hbm>>, %arg4: memref<3244032xi32, #tpu.memory_space<hbm>>, %arg5: memref<2x100096x16xf32, #tpu.memory_space<hbm>>, %arg6: memref<512xi32, #tpu.memory_space<vmem>>, %arg7: memref<512xi32, #tpu.memory_space<vmem>>, %arg8: memref<512x16xf32, #tpu.memory_space<vmem>>, %arg9: memref<512xi32, #tpu.memory_space<vmem>>, %arg10: memref<512xi32, #tpu.memory_space<vmem>>, %arg11: memref<512x16xf32, #tpu.memory_space<vmem>>, %arg12: memref<100096x16xf32, #tpu.memory_space<vmem_shared>>, %arg13: memref<!tpu.dma_semaphore, #tpu.memory_space<semaphore_mem>>, %arg14: memref<!tpu.dma_semaphore, #tpu.memory_space<semaphore_mem>>, %arg15: memref<!tpu.dma_semaphore, #tpu.memory_space<semaphore_mem>>, %arg16: memref<!tpu.dma_semaphore, #tpu.memory_space<semaphore_mem>>, %arg17: memref<!tpu.dma_semaphore, #tpu.memory_space<semaphore_mem>>, %arg18: memref<!tpu.dma_semaphore, #tpu.memory_space<semaphore_mem>>) attributes {dimension_semantics = [#tpu.dimension_semantics<core_parallel>, #tpu.dimension_semantics<subcore_parallel>], iteration_bounds = array<i64: 2, 16>, scalar_prefetch = 0 : i64, scratch_operands = 13 : i64, tpu.core_type = #tpu.core_type<sc_vector_subcore>, window_params = [{transform_indices = #map}, {transform_indices = #map1}, {transform_indices = #map1}, {transform_indices = #map2}]} {
    %mul3A = arith.constant 2 : i32
    %mul3A_0 = arith.muli %arg1, %mul3A : i32
    %add3A = arith.addi %mul3A_0, %arg0 : i32
    %scan3A = arith.constant 0 : i32
    %scan3A_1 = arith.constant 0 : i32
    %scan3A_2 = arith.constant 512 : i32
    %scan3A_3 = arith.addi %scan3A_1, %scan3A_2 : i32
    %scan3A_4 = arith.constant 1 : i32
    scf.for %scan3A_83 = %scan3A_1 to %scan3A_3 step %scan3A_4  : i32 {
      %broadcast_in_dim3A = arith.constant 0.000000e+00 : f32
      %broadcast_in_dim3A_84 = vector.broadcast %broadcast_in_dim3A : f32 to vector<16xf32>
      %swap3A = arith.index_cast %scan3A_83 : i32 to index
      %swap3A_85 = arith.constant 0 : index
      %swap3A_86 = tpu.vector_load %arg8[%swap3A, %swap3A_85] {strides = array<i32>} : memref<512x16xf32, #tpu.memory_space<vmem>>, vector<1x16xf32>,
      %swap3A_87 = vector.shape_cast %swap3A_86 : vector<1x16xf32> to vector<16xf32>
      %swap3A_88 = vector.shape_cast %broadcast_in_dim3A_84 : vector<16xf32> to vector<1x16xf32>
      tpu.vector_store %arg8[%swap3A, %swap3A_85], %swap3A_88 {strides = array<i32>} : memref<512x16xf32, #tpu.memory_space<vmem>>, vector<1x16xf32>,
    }
    %scan3A_5 = arith.constant 512 : i32
    %mul3A_6 = arith.constant 6256 : i32
    %mul3A_7 = arith.muli %arg1, %mul3A_6 : i32
    %add3A_8 = arith.constant 0 : i32
    %add3A_9 = arith.addi %mul3A_7, %add3A_8 : i32
    "tpu.region"() ({
      %run_scoped3A = tpu.sem_alloc : memref<!tpu.dma_semaphore, #tpu.memory_space<semaphore_mem>>
      %dma_start3A_83 = arith.constant 0 : i32
      %dma_start3A_84 = tpu.memref_slice %arg12[%add3A_9, %dma_start3A_83] : memref<100096x16xf32, #tpu.memory_space<vmem_shared>> -> memref<512x16xf32, #tpu.memory_space<vmem_shared>>
      %dma_start3A_85 = arith.constant 0 : i32
      %dma_start3A_86 = tpu.memref_slice %arg12[%add3A_9, %dma_start3A_85] : memref<100096x16xf32, #tpu.memory_space<vmem_shared>> -> memref<512x16xf32, #tpu.memory_space<vmem_shared>>
      tpu.enqueue_dma source(%arg8 : memref<512x16xf32, #tpu.memory_space<vmem>>) target(%dma_start3A_86 : memref<512x16xf32, #tpu.memory_space<vmem_shared>>) target_semaphore(%run_scoped3A : memref<!tpu.dma_semaphore, #tpu.memory_space<semaphore_mem>>)
      %dma_wait3A_87 = arith.constant 0 : i32
      %dma_wait3A_88 = tpu.memref_slice %arg12[%add3A_9, %dma_wait3A_87] : memref<100096x16xf32, #tpu.memory_space<vmem_shared>> -> memref<512x16xf32, #tpu.memory_space<vmem_shared>>
      %dma_wait3A_89 = arith.constant 0 : i32
      %dma_wait3A_90 = tpu.memref_slice %arg12[%add3A_9, %dma_wait3A_89] : memref<100096x16xf32, #tpu.memory_space<vmem_shared>> -> memref<512x16xf32, #tpu.memory_space<vmem_shared>>
      tpu.wait_dma2 semaphore(%run_scoped3A : memref<!tpu.dma_semaphore, #tpu.memory_space<semaphore_mem>>) src(%arg8 : memref<512x16xf32, #tpu.memory_space<vmem>>) dst(%dma_wait3A_90 : memref<512x16xf32, #tpu.memory_space<vmem_shared>>)
      tpu.yield
    }) : () -> ()
    %add3A_10 = arith.constant 512 : i32
    %add3A_11 = arith.addi %mul3A_7, %add3A_10 : i32
    "tpu.region"() ({
      %run_scoped3A = tpu.sem_alloc : memref<!tpu.dma_semaphore, #tpu.memory_space<semaphore_mem>>
      %dma_start3A_83 = arith.constant 0 : i32
      %dma_start3A_84 = tpu.memref_slice %arg12[%add3A_11, %dma_start3A_83] : memref<100096x16xf32, #tpu.memory_space<vmem_shared>> -> memref<512x16xf32, #tpu.memory_space<vmem_shared>>
      %dma_start3A_85 = arith.constant 0 : i32
      %dma_start3A_86 = tpu.memref_slice %arg12[%add3A_11, %dma_start3A_85] : memref<100096x16xf32, #tpu.memory_space<vmem_shared>> -> memref<512x16xf32, #tpu.memory_space<vmem_shared>>
      tpu.enqueue_dma source(%arg8 : memref<512x16xf32, #tpu.memory_space<vmem>>) target(%dma_start3A_86 : memref<512x16xf32, #tpu.memory_space<vmem_shared>>) target_semaphore(%run_scoped3A : memref<!tpu.dma_semaphore, #tpu.memory_space<semaphore_mem>>)
      %dma_wait3A_87 = arith.constant 0 : i32
      %dma_wait3A_88 = tpu.memref_slice %arg12[%add3A_11, %dma_wait3A_87] : memref<100096x16xf32, #tpu.memory_space<vmem_shared>> -> memref<512x16xf32, #tpu.memory_space<vmem_shared>>
      %dma_wait3A_89 = arith.constant 0 : i32
      %dma_wait3A_90 = tpu.memref_slice %arg12[%add3A_11, %dma_wait3A_89] : memref<100096x16xf32, #tpu.memory_space<vmem_shared>> -> memref<512x16xf32, #tpu.memory_space<vmem_shared>>
      tpu.wait_dma2 semaphore(%run_scoped3A : memref<!tpu.dma_semaphore, #tpu.memory_space<semaphore_mem>>) src(%arg8 : memref<512x16xf32, #tpu.memory_space<vmem>>) dst(%dma_wait3A_90 : memref<512x16xf32, #tpu.memory_space<vmem_shared>>)
      tpu.yield
    }) : () -> ()
    %add3A_12 = arith.constant 1024 : i32
    %add3A_13 = arith.addi %mul3A_7, %add3A_12 : i32
    "tpu.region"() ({
      %run_scoped3A = tpu.sem_alloc : memref<!tpu.dma_semaphore, #tpu.memory_space<semaphore_mem>>
      %dma_start3A_83 = arith.constant 0 : i32
      %dma_start3A_84 = tpu.memref_slice %arg12[%add3A_13, %dma_start3A_83] : memref<100096x16xf32, #tpu.memory_space<vmem_shared>> -> memref<512x16xf32, #tpu.memory_space<vmem_shared>>
      %dma_start3A_85 = arith.constant 0 : i32
      %dma_start3A_86 = tpu.memref_slice %arg12[%add3A_13, %dma_start3A_85] : memref<100096x16xf32, #tpu.memory_space<vmem_shared>> -> memref<512x16xf32, #tpu.memory_space<vmem_shared>>
      tpu.enqueue_dma source(%arg8 : memref<512x16xf32, #tpu.memory_space<vmem>>) target(%dma_start3A_86 : memref<512x16xf32, #tpu.memory_space<vmem_shared>>) target_semaphore(%run_scoped3A : memref<!tpu.dma_semaphore, #tpu.memory_space<semaphore_mem>>)
      %dma_wait3A_87 = arith.constant 0 : i32
      %dma_wait3A_88 = tpu.memref_slice %arg12[%add3A_13, %dma_wait3A_87] : memref<100096x16xf32, #tpu.memory_space<vmem_shared>> -> memref<512x16xf32, #tpu.memory_space<vmem_shared>>
      %dma_wait3A_89 = arith.constant 0 : i32
      %dma_wait3A_90 = tpu.memref_slice %arg12[%add3A_13, %dma_wait3A_89] : memref<100096x16xf32, #tpu.memory_space<vmem_shared>> -> memref<512x16xf32, #tpu.memory_space<vmem_shared>>
      tpu.wait_dma2 semaphore(%run_scoped3A : memref<!tpu.dma_semaphore, #tpu.memory_space<semaphore_mem>>) src(%arg8 : memref<512x16xf32, #tpu.memory_space<vmem>>) dst(%dma_wait3A_90 : memref<512x16xf32, #tpu.memory_space<vmem_shared>>)
      tpu.yield
    }) : () -> ()
    %add3A_14 = arith.constant 1536 : i32
    %add3A_15 = arith.addi %mul3A_7, %add3A_14 : i32
    "tpu.region"() ({
      %run_scoped3A = tpu.sem_alloc : memref<!tpu.dma_semaphore, #tpu.memory_space<semaphore_mem>>
      %dma_start3A_83 = arith.constant 0 : i32
      %dma_start3A_84 = tpu.memref_slice %arg12[%add3A_15, %dma_start3A_83] : memref<100096x16xf32, #tpu.memory_space<vmem_shared>> -> memref<512x16xf32, #tpu.memory_space<vmem_shared>>
      %dma_start3A_85 = arith.constant 0 : i32
      %dma_start3A_86 = tpu.memref_slice %arg12[%add3A_15, %dma_start3A_85] : memref<100096x16xf32, #tpu.memory_space<vmem_shared>> -> memref<512x16xf32, #tpu.memory_space<vmem_shared>>
      tpu.enqueue_dma source(%arg8 : memref<512x16xf32, #tpu.memory_space<vmem>>) target(%dma_start3A_86 : memref<512x16xf32, #tpu.memory_space<vmem_shared>>) target_semaphore(%run_scoped3A : memref<!tpu.dma_semaphore, #tpu.memory_space<semaphore_mem>>)
      %dma_wait3A_87 = arith.constant 0 : i32
      %dma_wait3A_88 = tpu.memref_slice %arg12[%add3A_15, %dma_wait3A_87] : memref<100096x16xf32, #tpu.memory_space<vmem_shared>> -> memref<512x16xf32, #tpu.memory_space<vmem_shared>>
      %dma_wait3A_89 = arith.constant 0 : i32
      %dma_wait3A_90 = tpu.memref_slice %arg12[%add3A_15, %dma_wait3A_89] : memref<100096x16xf32, #tpu.memory_space<vmem_shared>> -> memref<512x16xf32, #tpu.memory_space<vmem_shared>>
      tpu.wait_dma2 semaphore(%run_scoped3A : memref<!tpu.dma_semaphore, #tpu.memory_space<semaphore_mem>>) src(%arg8 : memref<512x16xf32, #tpu.memory_space<vmem>>) dst(%dma_wait3A_90 : memref<512x16xf32, #tpu.memory_space<vmem_shared>>)
      tpu.yield
    }) : () -> ()
    %add3A_16 = arith.constant 2048 : i32
    %add3A_17 = arith.addi %mul3A_7, %add3A_16 : i32
    "tpu.region"() ({
      %run_scoped3A = tpu.sem_alloc : memref<!tpu.dma_semaphore, #tpu.memory_space<semaphore_mem>>
      %dma_start3A_83 = arith.constant 0 : i32
      %dma_start3A_84 = tpu.memref_slice %arg12[%add3A_17, %dma_start3A_83] : memref<100096x16xf32, #tpu.memory_space<vmem_shared>> -> memref<512x16xf32, #tpu.memory_space<vmem_shared>>
      %dma_start3A_85 = arith.constant 0 : i32
      %dma_start3A_86 = tpu.memref_slice %arg12[%add3A_17, %dma_start3A_85] : memref<100096x16xf32, #tpu.memory_space<vmem_shared>> -> memref<512x16xf32, #tpu.memory_space<vmem_shared>>
      tpu.enqueue_dma source(%arg8 : memref<512x16xf32, #tpu.memory_space<vmem>>) target(%dma_start3A_86 : memref<512x16xf32, #tpu.memory_space<vmem_shared>>) target_semaphore(%run_scoped3A : memref<!tpu.dma_semaphore, #tpu.memory_space<semaphore_mem>>)
      %dma_wait3A_87 = arith.constant 0 : i32
      %dma_wait3A_88 = tpu.memref_slice %arg12[%add3A_17, %dma_wait3A_87] : memref<100096x16xf32, #tpu.memory_space<vmem_shared>> -> memref<512x16xf32, #tpu.memory_space<vmem_shared>>
      %dma_wait3A_89 = arith.constant 0 : i32
      %dma_wait3A_90 = tpu.memref_slice %arg12[%add3A_17, %dma_wait3A_89] : memref<100096x16xf32, #tpu.memory_space<vmem_shared>> -> memref<512x16xf32, #tpu.memory_space<vmem_shared>>
      tpu.wait_dma2 semaphore(%run_scoped3A : memref<!tpu.dma_semaphore, #tpu.memory_space<semaphore_mem>>) src(%arg8 : memref<512x16xf32, #tpu.memory_space<vmem>>) dst(%dma_wait3A_90 : memref<512x16xf32, #tpu.memory_space<vmem_shared>>)
      tpu.yield
    }) : () -> ()
    %add3A_18 = arith.constant 2560 : i32
    %add3A_19 = arith.addi %mul3A_7, %add3A_18 : i32
    "tpu.region"() ({
      %run_scoped3A = tpu.sem_alloc : memref<!tpu.dma_semaphore, #tpu.memory_space<semaphore_mem>>
      %dma_start3A_83 = arith.constant 0 : i32
      %dma_start3A_84 = tpu.memref_slice %arg12[%add3A_19, %dma_start3A_83] : memref<100096x16xf32, #tpu.memory_space<vmem_shared>> -> memref<512x16xf32, #tpu.memory_space<vmem_shared>>
      %dma_start3A_85 = arith.constant 0 : i32
      %dma_start3A_86 = tpu.memref_slice %arg12[%add3A_19, %dma_start3A_85] : memref<100096x16xf32, #tpu.memory_space<vmem_shared>> -> memref<512x16xf32, #tpu.memory_space<vmem_shared>>
      tpu.enqueue_dma source(%arg8 : memref<512x16xf32, #tpu.memory_space<vmem>>) target(%dma_start3A_86 : memref<512x16xf32, #tpu.memory_space<vmem_shared>>) target_semaphore(%run_scoped3A : memref<!tpu.dma_semaphore, #tpu.memory_space<semaphore_mem>>)
      %dma_wait3A_87 = arith.constant 0 : i32
      %dma_wait3A_88 = tpu.memref_slice %arg12[%add3A_19, %dma_wait3A_87] : memref<100096x16xf32, #tpu.memory_space<vmem_shared>> -> memref<512x16xf32, #tpu.memory_space<vmem_shared>>
      %dma_wait3A_89 = arith.constant 0 : i32
      %dma_wait3A_90 = tpu.memref_slice %arg12[%add3A_19, %dma_wait3A_89] : memref<100096x16xf32, #tpu.memory_space<vmem_shared>> -> memref<512x16xf32, #tpu.memory_space<vmem_shared>>
      tpu.wait_dma2 semaphore(%run_scoped3A : memref<!tpu.dma_semaphore, #tpu.memory_space<semaphore_mem>>) src(%arg8 : memref<512x16xf32, #tpu.memory_space<vmem>>) dst(%dma_wait3A_90 : memref<512x16xf32, #tpu.memory_space<vmem_shared>>)
      tpu.yield
    }) : () -> ()
    %add3A_20 = arith.constant 3072 : i32
    %add3A_21 = arith.addi %mul3A_7, %add3A_20 : i32
    "tpu.region"() ({
      %run_scoped3A = tpu.sem_alloc : memref<!tpu.dma_semaphore, #tpu.memory_space<semaphore_mem>>
      %dma_start3A_83 = arith.constant 0 : i32
      %dma_start3A_84 = tpu.memref_slice %arg12[%add3A_21, %dma_start3A_83] : memref<100096x16xf32, #tpu.memory_space<vmem_shared>> -> memref<512x16xf32, #tpu.memory_space<vmem_shared>>
      %dma_start3A_85 = arith.constant 0 : i32
      %dma_start3A_86 = tpu.memref_slice %arg12[%add3A_21, %dma_start3A_85] : memref<100096x16xf32, #tpu.memory_space<vmem_shared>> -> memref<512x16xf32, #tpu.memory_space<vmem_shared>>
      tpu.enqueue_dma source(%arg8 : memref<512x16xf32, #tpu.memory_space<vmem>>) target(%dma_start3A_86 : memref<512x16xf32, #tpu.memory_space<vmem_shared>>) target_semaphore(%run_scoped3A : memref<!tpu.dma_semaphore, #tpu.memory_space<semaphore_mem>>)
      %dma_wait3A_87 = arith.constant 0 : i32
      %dma_wait3A_88 = tpu.memref_slice %arg12[%add3A_21, %dma_wait3A_87] : memref<100096x16xf32, #tpu.memory_space<vmem_shared>> -> memref<512x16xf32, #tpu.memory_space<vmem_shared>>
      %dma_wait3A_89 = arith.constant 0 : i32
      %dma_wait3A_90 = tpu.memref_slice %arg12[%add3A_21, %dma_wait3A_89] : memref<100096x16xf32, #tpu.memory_space<vmem_shared>> -> memref<512x16xf32, #tpu.memory_space<vmem_shared>>
      tpu.wait_dma2 semaphore(%run_scoped3A : memref<!tpu.dma_semaphore, #tpu.memory_space<semaphore_mem>>) src(%arg8 : memref<512x16xf32, #tpu.memory_space<vmem>>) dst(%dma_wait3A_90 : memref<512x16xf32, #tpu.memory_space<vmem_shared>>)
      tpu.yield
    }) : () -> ()
    %add3A_22 = arith.constant 3584 : i32
    %add3A_23 = arith.addi %mul3A_7, %add3A_22 : i32
    "tpu.region"() ({
      %run_scoped3A = tpu.sem_alloc : memref<!tpu.dma_semaphore, #tpu.memory_space<semaphore_mem>>
      %dma_start3A_83 = arith.constant 0 : i32
      %dma_start3A_84 = tpu.memref_slice %arg12[%add3A_23, %dma_start3A_83] : memref<100096x16xf32, #tpu.memory_space<vmem_shared>> -> memref<512x16xf32, #tpu.memory_space<vmem_shared>>
      %dma_start3A_85 = arith.constant 0 : i32
      %dma_start3A_86 = tpu.memref_slice %arg12[%add3A_23, %dma_start3A_85] : memref<100096x16xf32, #tpu.memory_space<vmem_shared>> -> memref<512x16xf32, #tpu.memory_space<vmem_shared>>
      tpu.enqueue_dma source(%arg8 : memref<512x16xf32, #tpu.memory_space<vmem>>) target(%dma_start3A_86 : memref<512x16xf32, #tpu.memory_space<vmem_shared>>) target_semaphore(%run_scoped3A : memref<!tpu.dma_semaphore, #tpu.memory_space<semaphore_mem>>)
      %dma_wait3A_87 = arith.constant 0 : i32
      %dma_wait3A_88 = tpu.memref_slice %arg12[%add3A_23, %dma_wait3A_87] : memref<100096x16xf32, #tpu.memory_space<vmem_shared>> -> memref<512x16xf32, #tpu.memory_space<vmem_shared>>
      %dma_wait3A_89 = arith.constant 0 : i32
      %dma_wait3A_90 = tpu.memref_slice %arg12[%add3A_23, %dma_wait3A_89] : memref<100096x16xf32, #tpu.memory_space<vmem_shared>> -> memref<512x16xf32, #tpu.memory_space<vmem_shared>>
      tpu.wait_dma2 semaphore(%run_scoped3A : memref<!tpu.dma_semaphore, #tpu.memory_space<semaphore_mem>>) src(%arg8 : memref<512x16xf32, #tpu.memory_space<vmem>>) dst(%dma_wait3A_90 : memref<512x16xf32, #tpu.memory_space<vmem_shared>>)
      tpu.yield
    }) : () -> ()
    %add3A_24 = arith.constant 4096 : i32
    %add3A_25 = arith.addi %mul3A_7, %add3A_24 : i32
    "tpu.region"() ({
      %run_scoped3A = tpu.sem_alloc : memref<!tpu.dma_semaphore, #tpu.memory_space<semaphore_mem>>
      %dma_start3A_83 = arith.constant 0 : i32
      %dma_start3A_84 = tpu.memref_slice %arg12[%add3A_25, %dma_start3A_83] : memref<100096x16xf32, #tpu.memory_space<vmem_shared>> -> memref<512x16xf32, #tpu.memory_space<vmem_shared>>
      %dma_start3A_85 = arith.constant 0 : i32
      %dma_start3A_86 = tpu.memref_slice %arg12[%add3A_25, %dma_start3A_85] : memref<100096x16xf32, #tpu.memory_space<vmem_shared>> -> memref<512x16xf32, #tpu.memory_space<vmem_shared>>
      tpu.enqueue_dma source(%arg8 : memref<512x16xf32, #tpu.memory_space<vmem>>) target(%dma_start3A_86 : memref<512x16xf32, #tpu.memory_space<vmem_shared>>) target_semaphore(%run_scoped3A : memref<!tpu.dma_semaphore, #tpu.memory_space<semaphore_mem>>)
      %dma_wait3A_87 = arith.constant 0 : i32
      %dma_wait3A_88 = tpu.memref_slice %arg12[%add3A_25, %dma_wait3A_87] : memref<100096x16xf32, #tpu.memory_space<vmem_shared>> -> memref<512x16xf32, #tpu.memory_space<vmem_shared>>
      %dma_wait3A_89 = arith.constant 0 : i32
      %dma_wait3A_90 = tpu.memref_slice %arg12[%add3A_25, %dma_wait3A_89] : memref<100096x16xf32, #tpu.memory_space<vmem_shared>> -> memref<512x16xf32, #tpu.memory_space<vmem_shared>>
      tpu.wait_dma2 semaphore(%run_scoped3A : memref<!tpu.dma_semaphore, #tpu.memory_space<semaphore_mem>>) src(%arg8 : memref<512x16xf32, #tpu.memory_space<vmem>>) dst(%dma_wait3A_90 : memref<512x16xf32, #tpu.memory_space<vmem_shared>>)
      tpu.yield
    }) : () -> ()
    %add3A_26 = arith.constant 4608 : i32
    %add3A_27 = arith.addi %mul3A_7, %add3A_26 : i32
    "tpu.region"() ({
      %run_scoped3A = tpu.sem_alloc : memref<!tpu.dma_semaphore, #tpu.memory_space<semaphore_mem>>
      %dma_start3A_83 = arith.constant 0 : i32
      %dma_start3A_84 = tpu.memref_slice %arg12[%add3A_27, %dma_start3A_83] : memref<100096x16xf32, #tpu.memory_space<vmem_shared>> -> memref<512x16xf32, #tpu.memory_space<vmem_shared>>
      %dma_start3A_85 = arith.constant 0 : i32
      %dma_start3A_86 = tpu.memref_slice %arg12[%add3A_27, %dma_start3A_85] : memref<100096x16xf32, #tpu.memory_space<vmem_shared>> -> memref<512x16xf32, #tpu.memory_space<vmem_shared>>
      tpu.enqueue_dma source(%arg8 : memref<512x16xf32, #tpu.memory_space<vmem>>) target(%dma_start3A_86 : memref<512x16xf32, #tpu.memory_space<vmem_shared>>) target_semaphore(%run_scoped3A : memref<!tpu.dma_semaphore, #tpu.memory_space<semaphore_mem>>)
      %dma_wait3A_87 = arith.constant 0 : i32
      %dma_wait3A_88 = tpu.memref_slice %arg12[%add3A_27, %dma_wait3A_87] : memref<100096x16xf32, #tpu.memory_space<vmem_shared>> -> memref<512x16xf32, #tpu.memory_space<vmem_shared>>
      %dma_wait3A_89 = arith.constant 0 : i32
      %dma_wait3A_90 = tpu.memref_slice %arg12[%add3A_27, %dma_wait3A_89] : memref<100096x16xf32, #tpu.memory_space<vmem_shared>> -> memref<512x16xf32, #tpu.memory_space<vmem_shared>>
      tpu.wait_dma2 semaphore(%run_scoped3A : memref<!tpu.dma_semaphore, #tpu.memory_space<semaphore_mem>>) src(%arg8 : memref<512x16xf32, #tpu.memory_space<vmem>>) dst(%dma_wait3A_90 : memref<512x16xf32, #tpu.memory_space<vmem_shared>>)
      tpu.yield
    }) : () -> ()
    %add3A_28 = arith.constant 5120 : i32
    %add3A_29 = arith.addi %mul3A_7, %add3A_28 : i32
    "tpu.region"() ({
      %run_scoped3A = tpu.sem_alloc : memref<!tpu.dma_semaphore, #tpu.memory_space<semaphore_mem>>
      %dma_start3A_83 = arith.constant 0 : i32
      %dma_start3A_84 = tpu.memref_slice %arg12[%add3A_29, %dma_start3A_83] : memref<100096x16xf32, #tpu.memory_space<vmem_shared>> -> memref<512x16xf32, #tpu.memory_space<vmem_shared>>
      %dma_start3A_85 = arith.constant 0 : i32
      %dma_start3A_86 = tpu.memref_slice %arg12[%add3A_29, %dma_start3A_85] : memref<100096x16xf32, #tpu.memory_space<vmem_shared>> -> memref<512x16xf32, #tpu.memory_space<vmem_shared>>
      tpu.enqueue_dma source(%arg8 : memref<512x16xf32, #tpu.memory_space<vmem>>) target(%dma_start3A_86 : memref<512x16xf32, #tpu.memory_space<vmem_shared>>) target_semaphore(%run_scoped3A : memref<!tpu.dma_semaphore, #tpu.memory_space<semaphore_mem>>)
      %dma_wait3A_87 = arith.constant 0 : i32
      %dma_wait3A_88 = tpu.memref_slice %arg12[%add3A_29, %dma_wait3A_87] : memref<100096x16xf32, #tpu.memory_space<vmem_shared>> -> memref<512x16xf32, #tpu.memory_space<vmem_shared>>
      %dma_wait3A_89 = arith.constant 0 : i32
      %dma_wait3A_90 = tpu.memref_slice %arg12[%add3A_29, %dma_wait3A_89] : memref<100096x16xf32, #tpu.memory_space<vmem_shared>> -> memref<512x16xf32, #tpu.memory_space<vmem_shared>>
      tpu.wait_dma2 semaphore(%run_scoped3A : memref<!tpu.dma_semaphore, #tpu.memory_space<semaphore_mem>>) src(%arg8 : memref<512x16xf32, #tpu.memory_space<vmem>>) dst(%dma_wait3A_90 : memref<512x16xf32, #tpu.memory_space<vmem_shared>>)
      tpu.yield
    }) : () -> ()
    %add3A_30 = arith.constant 5632 : i32
    %add3A_31 = arith.addi %mul3A_7, %add3A_30 : i32
    "tpu.region"() ({
      %run_scoped3A = tpu.sem_alloc : memref<!tpu.dma_semaphore, #tpu.memory_space<semaphore_mem>>
      %dma_start3A_83 = arith.constant 0 : i32
      %dma_start3A_84 = tpu.memref_slice %arg12[%add3A_31, %dma_start3A_83] : memref<100096x16xf32, #tpu.memory_space<vmem_shared>> -> memref<512x16xf32, #tpu.memory_space<vmem_shared>>
      %dma_start3A_85 = arith.constant 0 : i32
      %dma_start3A_86 = tpu.memref_slice %arg12[%add3A_31, %dma_start3A_85] : memref<100096x16xf32, #tpu.memory_space<vmem_shared>> -> memref<512x16xf32, #tpu.memory_space<vmem_shared>>
      tpu.enqueue_dma source(%arg8 : memref<512x16xf32, #tpu.memory_space<vmem>>) target(%dma_start3A_86 : memref<512x16xf32, #tpu.memory_space<vmem_shared>>) target_semaphore(%run_scoped3A : memref<!tpu.dma_semaphore, #tpu.memory_space<semaphore_mem>>)
      %dma_wait3A_87 = arith.constant 0 : i32
      %dma_wait3A_88 = tpu.memref_slice %arg12[%add3A_31, %dma_wait3A_87] : memref<100096x16xf32, #tpu.memory_space<vmem_shared>> -> memref<512x16xf32, #tpu.memory_space<vmem_shared>>
      %dma_wait3A_89 = arith.constant 0 : i32
      %dma_wait3A_90 = tpu.memref_slice %arg12[%add3A_31, %dma_wait3A_89] : memref<100096x16xf32, #tpu.memory_space<vmem_shared>> -> memref<512x16xf32, #tpu.memory_space<vmem_shared>>
      tpu.wait_dma2 semaphore(%run_scoped3A : memref<!tpu.dma_semaphore, #tpu.memory_space<semaphore_mem>>) src(%arg8 : memref<512x16xf32, #tpu.memory_space<vmem>>) dst(%dma_wait3A_90 : memref<512x16xf32, #tpu.memory_space<vmem_shared>>)
      tpu.yield
    }) : () -> ()
    %add3A_32 = arith.constant 6144 : i32
    %add3A_33 = arith.addi %mul3A_7, %add3A_32 : i32
    "tpu.region"() ({
      %run_scoped3A = tpu.sem_alloc : memref<!tpu.dma_semaphore, #tpu.memory_space<semaphore_mem>>
      %dma_start3A_83 = arith.constant 0 : i32
      %dma_start3A_84 = arith.constant 0 : i32
      %dma_start3A_85 = tpu.memref_slice %arg8[%dma_start3A_83, %dma_start3A_84] : memref<512x16xf32, #tpu.memory_space<vmem>> -> memref<112x16xf32, #tpu.memory_space<vmem>>
      %dma_start3A_86 = arith.constant 0 : i32
      %dma_start3A_87 = tpu.memref_slice %arg12[%add3A_33, %dma_start3A_86] : memref<100096x16xf32, #tpu.memory_space<vmem_shared>> -> memref<112x16xf32, #tpu.memory_space<vmem_shared>>
      %dma_start3A_88 = arith.constant 0 : i32
      %dma_start3A_89 = tpu.memref_slice %arg12[%add3A_33, %dma_start3A_88] : memref<100096x16xf32, #tpu.memory_space<vmem_shared>> -> memref<112x16xf32, #tpu.memory_space<vmem_shared>>
      %dma_start3A_90 = arith.constant 0 : i32
      %dma_start3A_91 = arith.constant 0 : i32
      %dma_start3A_92 = tpu.memref_slice %arg8[%dma_start3A_90, %dma_start3A_91] : memref<512x16xf32, #tpu.memory_space<vmem>> -> memref<112x16xf32, #tpu.memory_space<vmem>>
      tpu.enqueue_dma source(%dma_start3A_92 : memref<112x16xf32, #tpu.memory_space<vmem>>) target(%dma_start3A_89 : memref<112x16xf32, #tpu.memory_space<vmem_shared>>) target_semaphore(%run_scoped3A : memref<!tpu.dma_semaphore, #tpu.memory_space<semaphore_mem>>)
      %dma_wait3A_93 = arith.constant 0 : i32
      %dma_wait3A_94 = arith.constant 0 : i32
      %dma_wait3A_95 = tpu.memref_slice %arg8[%dma_wait3A_93, %dma_wait3A_94] : memref<512x16xf32, #tpu.memory_space<vmem>> -> memref<112x16xf32, #tpu.memory_space<vmem>>
      %dma_wait3A_96 = arith.constant 0 : i32
      %dma_wait3A_97 = tpu.memref_slice %arg12[%add3A_33, %dma_wait3A_96] : memref<100096x16xf32, #tpu.memory_space<vmem_shared>> -> memref<112x16xf32, #tpu.memory_space<vmem_shared>>
      %dma_wait3A_98 = arith.constant 0 : i32
      %dma_wait3A_99 = tpu.memref_slice %arg12[%add3A_33, %dma_wait3A_98] : memref<100096x16xf32, #tpu.memory_space<vmem_shared>> -> memref<112x16xf32, #tpu.memory_space<vmem_shared>>
      %dma_wait3A_100 = arith.constant 0 : i32
      %dma_wait3A_101 = arith.constant 0 : i32
      %dma_wait3A_102 = tpu.memref_slice %arg8[%dma_wait3A_100, %dma_wait3A_101] : memref<512x16xf32, #tpu.memory_space<vmem>> -> memref<112x16xf32, #tpu.memory_space<vmem>>
      tpu.wait_dma2 semaphore(%run_scoped3A : memref<!tpu.dma_semaphore, #tpu.memory_space<semaphore_mem>>) src(%dma_wait3A_102 : memref<112x16xf32, #tpu.memory_space<vmem>>) dst(%dma_wait3A_99 : memref<112x16xf32, #tpu.memory_space<vmem_shared>>)
      tpu.yield
    }) : () -> ()
    %barrier3A = arith.constant 0 : index
    tpu.barrier barrier_id(%barrier3A)
    %mul3A_34 = arith.constant 101376 : i32
    %mul3A_35 = arith.muli %add3A, %mul3A_34 : i32
    %add3A_36 = arith.constant 0 : i32
    %add3A_37 = arith.addi %mul3A_35, %add3A_36 : i32
    %dma_start3A = tpu.memref_slice %arg3[%add3A_37] : memref<3244032xi32, #tpu.memory_space<hbm>> -> memref<512xi32, #tpu.memory_space<hbm>>
    %dma_start3A_38 = tpu.memref_slice %arg3[%add3A_37] : memref<3244032xi32, #tpu.memory_space<hbm>> -> memref<512xi32, #tpu.memory_space<hbm>>
    tpu.enqueue_dma source(%dma_start3A_38 : memref<512xi32, #tpu.memory_space<hbm>>) target(%arg6 : memref<512xi32, #tpu.memory_space<vmem>>) target_semaphore(%arg17 : memref<!tpu.dma_semaphore, #tpu.memory_space<semaphore_mem>>)
    %add3A_39 = arith.constant 0 : i32
    %add3A_40 = arith.addi %mul3A_35, %add3A_39 : i32
    %dma_start3A_41 = tpu.memref_slice %arg4[%add3A_40] : memref<3244032xi32, #tpu.memory_space<hbm>> -> memref<512xi32, #tpu.memory_space<hbm>>
    %dma_start3A_42 = tpu.memref_slice %arg4[%add3A_40] : memref<3244032xi32, #tpu.memory_space<hbm>> -> memref<512xi32, #tpu.memory_space<hbm>>
    tpu.enqueue_dma source(%dma_start3A_42 : memref<512xi32, #tpu.memory_space<hbm>>) target(%arg7 : memref<512xi32, #tpu.memory_space<vmem>>) target_semaphore(%arg17 : memref<!tpu.dma_semaphore, #tpu.memory_space<semaphore_mem>>)
    %add3A_43 = arith.constant 0 : i32
    %add3A_44 = arith.addi %mul3A_35, %add3A_43 : i32
    %dma_wait3A = tpu.memref_slice %arg3[%add3A_44] : memref<3244032xi32, #tpu.memory_space<hbm>> -> memref<512xi32, #tpu.memory_space<hbm>>
    %dma_wait3A_45 = tpu.memref_slice %arg3[%add3A_44] : memref<3244032xi32, #tpu.memory_space<hbm>> -> memref<512xi32, #tpu.memory_space<hbm>>
    tpu.wait_dma2 semaphore(%arg17 : memref<!tpu.dma_semaphore, #tpu.memory_space<semaphore_mem>>) src(%dma_wait3A_45 : memref<512xi32, #tpu.memory_space<hbm>>) dst(%arg6 : memref<512xi32, #tpu.memory_space<vmem>>)
    %add3A_46 = arith.constant 0 : i32
    %add3A_47 = arith.addi %mul3A_35, %add3A_46 : i32
    %dma_wait3A_48 = tpu.memref_slice %arg4[%add3A_47] : memref<3244032xi32, #tpu.memory_space<hbm>> -> memref<512xi32, #tpu.memory_space<hbm>>
    %dma_wait3A_49 = tpu.memref_slice %arg4[%add3A_47] : memref<3244032xi32, #tpu.memory_space<hbm>> -> memref<512xi32, #tpu.memory_space<hbm>>
    tpu.wait_dma2 semaphore(%arg17 : memref<!tpu.dma_semaphore, #tpu.memory_space<semaphore_mem>>) src(%dma_wait3A_49 : memref<512xi32, #tpu.memory_space<hbm>>) dst(%arg7 : memref<512xi32, #tpu.memory_space<vmem>>)
    %dma_start3A_50 = arith.constant 0 : i32
    %dma_start3A_51 = arith.constant 0 : i32
    %dma_start3A_52 = tpu.memref_slice %arg2[%dma_start3A_50, %dma_start3A_51] : memref<100096x16xf32, #tpu.memory_space<hbm>> -> memref<100096x16xf32, #tpu.memory_space<hbm>>
    tpu.enqueue_indirect_dma source(%dma_start3A_52 : memref<100096x16xf32, #tpu.memory_space<hbm>>) target(%arg8 : memref<512x16xf32, #tpu.memory_space<vmem>>) offsets(%arg6 : memref<512xi32, #tpu.memory_space<vmem>>) semaphore(%arg13 : memref<!tpu.dma_semaphore, #tpu.memory_space<semaphore_mem>>)
    %add3A_53 = arith.constant 512 : i32
    %add3A_54 = arith.addi %mul3A_35, %add3A_53 : i32
    %dma_start3A_55 = tpu.memref_slice %arg3[%add3A_54] : memref<3244032xi32, #tpu.memory_space<hbm>> -> memref<512xi32, #tpu.memory_space<hbm>>
    %dma_start3A_56 = tpu.memref_slice %arg3[%add3A_54] : memref<3244032xi32, #tpu.memory_space<hbm>> -> memref<512xi32, #tpu.memory_space<hbm>>
    tpu.enqueue_dma source(%dma_start3A_56 : memref<512xi32, #tpu.memory_space<hbm>>) target(%arg9 : memref<512xi32, #tpu.memory_space<vmem>>) target_semaphore(%arg18 : memref<!tpu.dma_semaphore, #tpu.memory_space<semaphore_mem>>)
    %add3A_57 = arith.constant 512 : i32
    %add3A_58 = arith.addi %mul3A_35, %add3A_57 : i32
    %dma_start3A_59 = tpu.memref_slice %arg4[%add3A_58] : memref<3244032xi32, #tpu.memory_space<hbm>> -> memref<512xi32, #tpu.memory_space<hbm>>
    %dma_start3A_60 = tpu.memref_slice %arg4[%add3A_58] : memref<3244032xi32, #tpu.memory_space<hbm>> -> memref<512xi32, #tpu.memory_space<hbm>>
    tpu.enqueue_dma source(%dma_start3A_60 : memref<512xi32, #tpu.memory_space<hbm>>) target(%arg10 : memref<512xi32, #tpu.memory_space<vmem>>) target_semaphore(%arg18 : memref<!tpu.dma_semaphore, #tpu.memory_space<semaphore_mem>>)
    %scan3A_61 = arith.constant 0 : i32
    %scan3A_62 = arith.constant 0 : i32
    %scan3A_63 = arith.constant 98 : i32
    %scan3A_64 = arith.addi %scan3A_62, %scan3A_63 : i32
    %scan3A_65 = arith.constant 1 : i32
    scf.for %scan3A_83 = %scan3A_62 to %scan3A_64 step %scan3A_65  : i32 {
      %mul3A_84 = arith.constant 2 : i32
      %mul3A_85 = arith.muli %mul3A_84, %scan3A_83 : i32
      %add3A_86 = arith.constant 1 : i32
      %add3A_87 = arith.addi %mul3A_85, %add3A_86 : i32
      %mul3A_88 = arith.constant 512 : i32
      %mul3A_89 = arith.muli %add3A_87, %mul3A_88 : i32
      %add3A_90 = arith.addi %mul3A_35, %mul3A_89 : i32
      %dma_wait3A_91 = tpu.memref_slice %arg3[%add3A_90] : memref<3244032xi32, #tpu.memory_space<hbm>> -> memref<512xi32, #tpu.memory_space<hbm>>
      %dma_wait3A_92 = tpu.memref_slice %arg3[%add3A_90] : memref<3244032xi32, #tpu.memory_space<hbm>> -> memref<512xi32, #tpu.memory_space<hbm>>
      tpu.wait_dma2 semaphore(%arg18 : memref<!tpu.dma_semaphore, #tpu.memory_space<semaphore_mem>>) src(%dma_wait3A_92 : memref<512xi32, #tpu.memory_space<hbm>>) dst(%arg9 : memref<512xi32, #tpu.memory_space<vmem>>)
      %mul3A_93 = arith.constant 512 : i32
      %mul3A_94 = arith.muli %add3A_87, %mul3A_93 : i32
      %add3A_95 = arith.addi %mul3A_35, %mul3A_94 : i32
      %dma_wait3A_96 = tpu.memref_slice %arg4[%add3A_95] : memref<3244032xi32, #tpu.memory_space<hbm>> -> memref<512xi32, #tpu.memory_space<hbm>>
      %dma_wait3A_97 = tpu.memref_slice %arg4[%add3A_95] : memref<3244032xi32, #tpu.memory_space<hbm>> -> memref<512xi32, #tpu.memory_space<hbm>>
      tpu.wait_dma2 semaphore(%arg18 : memref<!tpu.dma_semaphore, #tpu.memory_space<semaphore_mem>>) src(%dma_wait3A_97 : memref<512xi32, #tpu.memory_space<hbm>>) dst(%arg10 : memref<512xi32, #tpu.memory_space<vmem>>)
      %dma_start3A_98 = arith.constant 0 : i32
      %dma_start3A_99 = arith.constant 0 : i32
      %dma_start3A_100 = tpu.memref_slice %arg2[%dma_start3A_98, %dma_start3A_99] : memref<100096x16xf32, #tpu.memory_space<hbm>> -> memref<100096x16xf32, #tpu.memory_space<hbm>>
      tpu.enqueue_indirect_dma source(%dma_start3A_100 : memref<100096x16xf32, #tpu.memory_space<hbm>>) target(%arg11 : memref<512x16xf32, #tpu.memory_space<vmem>>) offsets(%arg9 : memref<512xi32, #tpu.memory_space<vmem>>) semaphore(%arg14 : memref<!tpu.dma_semaphore, #tpu.memory_space<semaphore_mem>>)
      %dma_wait3A_101 = arith.constant 0 : i32
      %dma_wait3A_102 = arith.constant 0 : i32
      %dma_wait3A_103 = tpu.memref_slice %arg2[%dma_wait3A_101, %dma_wait3A_102] : memref<100096x16xf32, #tpu.memory_space<hbm>> -> memref<100096x16xf32, #tpu.memory_space<hbm>>
      tpu.wait_indirect_dma semaphore(%arg13 : memref<!tpu.dma_semaphore, #tpu.memory_space<semaphore_mem>>) src(%dma_wait3A_103 : memref<100096x16xf32, #tpu.memory_space<hbm>>) dst(%arg8 : memref<512x16xf32, #tpu.memory_space<vmem>>)
      %dma_start3A_104 = arith.constant 0 : i32
      %dma_start3A_105 = arith.constant 0 : i32
      %dma_start3A_106 = tpu.memref_slice %arg12[%dma_start3A_104, %dma_start3A_105] : memref<100096x16xf32, #tpu.memory_space<vmem_shared>> -> memref<100096x16xf32, #tpu.memory_space<vmem_shared>>
      tpu.enqueue_indirect_dma source(%arg8 : memref<512x16xf32, #tpu.memory_space<vmem>>) target(%dma_start3A_106 : memref<100096x16xf32, #tpu.memory_space<vmem_shared>>) offsets(%arg7 : memref<512xi32, #tpu.memory_space<vmem>>) semaphore(%arg15 : memref<!tpu.dma_semaphore, #tpu.memory_space<semaphore_mem>>) {add = true}
      %dma_wait3A_107 = arith.constant 0 : i32
      %dma_wait3A_108 = arith.constant 0 : i32
      %dma_wait3A_109 = tpu.memref_slice %arg12[%dma_wait3A_107, %dma_wait3A_108] : memref<100096x16xf32, #tpu.memory_space<vmem_shared>> -> memref<100096x16xf32, #tpu.memory_space<vmem_shared>>
      tpu.wait_indirect_dma semaphore(%arg15 : memref<!tpu.dma_semaphore, #tpu.memory_space<semaphore_mem>>) src(%arg8 : memref<512x16xf32, #tpu.memory_space<vmem>>) dst(%dma_wait3A_109 : memref<100096x16xf32, #tpu.memory_space<vmem_shared>>)
      %add3A_110 = arith.constant 2 : i32
      %add3A_111 = arith.addi %mul3A_85, %add3A_110 : i32
      %mul3A_112 = arith.constant 512 : i32
      %mul3A_113 = arith.muli %add3A_111, %mul3A_112 : i32
      %add3A_114 = arith.addi %mul3A_35, %mul3A_113 : i32
      %dma_start3A_115 = tpu.memref_slice %arg3[%add3A_114] : memref<3244032xi32, #tpu.memory_space<hbm>> -> memref<512xi32, #tpu.memory_space<hbm>>
      %dma_start3A_116 = tpu.memref_slice %arg3[%add3A_114] : memref<3244032xi32, #tpu.memory_space<hbm>> -> memref<512xi32, #tpu.memory_space<hbm>>
      tpu.enqueue_dma source(%dma_start3A_116 : memref<512xi32, #tpu.memory_space<hbm>>) target(%arg6 : memref<512xi32, #tpu.memory_space<vmem>>) target_semaphore(%arg17 : memref<!tpu.dma_semaphore, #tpu.memory_space<semaphore_mem>>)
      %mul3A_117 = arith.constant 512 : i32
      %mul3A_118 = arith.muli %add3A_111, %mul3A_117 : i32
      %add3A_119 = arith.addi %mul3A_35, %mul3A_118 : i32
      %dma_start3A_120 = tpu.memref_slice %arg4[%add3A_119] : memref<3244032xi32, #tpu.memory_space<hbm>> -> memref<512xi32, #tpu.memory_space<hbm>>
      %dma_start3A_121 = tpu.memref_slice %arg4[%add3A_119] : memref<3244032xi32, #tpu.memory_space<hbm>> -> memref<512xi32, #tpu.memory_space<hbm>>
      tpu.enqueue_dma source(%dma_start3A_121 : memref<512xi32, #tpu.memory_space<hbm>>) target(%arg7 : memref<512xi32, #tpu.memory_space<vmem>>) target_semaphore(%arg17 : memref<!tpu.dma_semaphore, #tpu.memory_space<semaphore_mem>>)
      %dma_wait3A_122 = arith.constant 0 : i32
      %dma_wait3A_123 = arith.constant 0 : i32
      %dma_wait3A_124 = tpu.memref_slice %arg2[%dma_wait3A_122, %dma_wait3A_123] : memref<100096x16xf32, #tpu.memory_space<hbm>> -> memref<100096x16xf32, #tpu.memory_space<hbm>>
      tpu.wait_indirect_dma semaphore(%arg14 : memref<!tpu.dma_semaphore, #tpu.memory_space<semaphore_mem>>) src(%dma_wait3A_124 : memref<100096x16xf32, #tpu.memory_space<hbm>>) dst(%arg11 : memref<512x16xf32, #tpu.memory_space<vmem>>)
      %dma_start3A_125 = arith.constant 0 : i32
      %dma_start3A_126 = arith.constant 0 : i32
      %dma_start3A_127 = tpu.memref_slice %arg12[%dma_start3A_125, %dma_start3A_126] : memref<100096x16xf32, #tpu.memory_space<vmem_shared>> -> memref<100096x16xf32, #tpu.memory_space<vmem_shared>>
      tpu.enqueue_indirect_dma source(%arg11 : memref<512x16xf32, #tpu.memory_space<vmem>>) target(%dma_start3A_127 : memref<100096x16xf32, #tpu.memory_space<vmem_shared>>) offsets(%arg10 : memref<512xi32, #tpu.memory_space<vmem>>) semaphore(%arg16 : memref<!tpu.dma_semaphore, #tpu.memory_space<semaphore_mem>>) {add = true}
      %dma_wait3A_128 = arith.constant 0 : i32
      %dma_wait3A_129 = arith.constant 0 : i32
      %dma_wait3A_130 = tpu.memref_slice %arg12[%dma_wait3A_128, %dma_wait3A_129] : memref<100096x16xf32, #tpu.memory_space<vmem_shared>> -> memref<100096x16xf32, #tpu.memory_space<vmem_shared>>
      tpu.wait_indirect_dma semaphore(%arg16 : memref<!tpu.dma_semaphore, #tpu.memory_space<semaphore_mem>>) src(%arg11 : memref<512x16xf32, #tpu.memory_space<vmem>>) dst(%dma_wait3A_130 : memref<100096x16xf32, #tpu.memory_space<vmem_shared>>)
      %add3A_131 = arith.constant 3 : i32
      %add3A_132 = arith.addi %mul3A_85, %add3A_131 : i32
      %mul3A_133 = arith.constant 512 : i32
      %mul3A_134 = arith.muli %add3A_132, %mul3A_133 : i32
      %add3A_135 = arith.addi %mul3A_35, %mul3A_134 : i32
      %dma_start3A_136 = tpu.memref_slice %arg3[%add3A_135] : memref<3244032xi32, #tpu.memory_space<hbm>> -> memref<512xi32, #tpu.memory_space<hbm>>
      %dma_start3A_137 = tpu.memref_slice %arg3[%add3A_135] : memref<3244032xi32, #tpu.memory_space<hbm>> -> memref<512xi32, #tpu.memory_space<hbm>>
      tpu.enqueue_dma source(%dma_start3A_137 : memref<512xi32, #tpu.memory_space<hbm>>) target(%arg9 : memref<512xi32, #tpu.memory_space<vmem>>) target_semaphore(%arg18 : memref<!tpu.dma_semaphore, #tpu.memory_space<semaphore_mem>>)
      %mul3A_138 = arith.constant 512 : i32
      %mul3A_139 = arith.muli %add3A_132, %mul3A_138 : i32
      %add3A_140 = arith.addi %mul3A_35, %mul3A_139 : i32
      %dma_start3A_141 = tpu.memref_slice %arg4[%add3A_140] : memref<3244032xi32, #tpu.memory_space<hbm>> -> memref<512xi32, #tpu.memory_space<hbm>>
      %dma_start3A_142 = tpu.memref_slice %arg4[%add3A_140] : memref<3244032xi32, #tpu.memory_space<hbm>> -> memref<512xi32, #tpu.memory_space<hbm>>
      tpu.enqueue_dma source(%dma_start3A_142 : memref<512xi32, #tpu.memory_space<hbm>>) target(%arg10 : memref<512xi32, #tpu.memory_space<vmem>>) target_semaphore(%arg18 : memref<!tpu.dma_semaphore, #tpu.memory_space<semaphore_mem>>)
      %add3A_143 = arith.constant 2 : i32
      %add3A_144 = arith.addi %mul3A_85, %add3A_143 : i32
      %mul3A_145 = arith.constant 512 : i32
      %mul3A_146 = arith.muli %add3A_144, %mul3A_145 : i32
      %add3A_147 = arith.addi %mul3A_35, %mul3A_146 : i32
      %dma_wait3A_148 = tpu.memref_slice %arg3[%add3A_147] : memref<3244032xi32, #tpu.memory_space<hbm>> -> memref<512xi32, #tpu.memory_space<hbm>>
      %dma_wait3A_149 = tpu.memref_slice %arg3[%add3A_147] : memref<3244032xi32, #tpu.memory_space<hbm>> -> memref<512xi32, #tpu.memory_space<hbm>>
      tpu.wait_dma2 semaphore(%arg17 : memref<!tpu.dma_semaphore, #tpu.memory_space<semaphore_mem>>) src(%dma_wait3A_149 : memref<512xi32, #tpu.memory_space<hbm>>) dst(%arg6 : memref<512xi32, #tpu.memory_space<vmem>>)
      %mul3A_150 = arith.constant 512 : i32
      %mul3A_151 = arith.muli %add3A_144, %mul3A_150 : i32
      %add3A_152 = arith.addi %mul3A_35, %mul3A_151 : i32
      %dma_wait3A_153 = tpu.memref_slice %arg4[%add3A_152] : memref<3244032xi32, #tpu.memory_space<hbm>> -> memref<512xi32, #tpu.memory_space<hbm>>
      %dma_wait3A_154 = tpu.memref_slice %arg4[%add3A_152] : memref<3244032xi32, #tpu.memory_space<hbm>> -> memref<512xi32, #tpu.memory_space<hbm>>
      tpu.wait_dma2 semaphore(%arg17 : memref<!tpu.dma_semaphore, #tpu.memory_space<semaphore_mem>>) src(%dma_wait3A_154 : memref<512xi32, #tpu.memory_space<hbm>>) dst(%arg7 : memref<512xi32, #tpu.memory_space<vmem>>)
      %dma_start3A_155 = arith.constant 0 : i32
      %dma_start3A_156 = arith.constant 0 : i32
      %dma_start3A_157 = tpu.memref_slice %arg2[%dma_start3A_155, %dma_start3A_156] : memref<100096x16xf32, #tpu.memory_space<hbm>> -> memref<100096x16xf32, #tpu.memory_space<hbm>>
      tpu.enqueue_indirect_dma source(%dma_start3A_157 : memref<100096x16xf32, #tpu.memory_space<hbm>>) target(%arg8 : memref<512x16xf32, #tpu.memory_space<vmem>>) offsets(%arg6 : memref<512xi32, #tpu.memory_space<vmem>>) semaphore(%arg13 : memref<!tpu.dma_semaphore, #tpu.memory_space<semaphore_mem>>)
    }
    %scan3A_66 = arith.constant 98 : i32
    %dma_wait3A_67 = arith.constant 0 : i32
    %dma_wait3A_68 = arith.constant 0 : i32
    %dma_wait3A_69 = tpu.memref_slice %arg2[%dma_wait3A_67, %dma_wait3A_68] : memref<100096x16xf32, #tpu.memory_space<hbm>> -> memref<100096x16xf32, #tpu.memory_space<hbm>>
    tpu.wait_indirect_dma semaphore(%arg13 : memref<!tpu.dma_semaphore, #tpu.memory_space<semaphore_mem>>) src(%dma_wait3A_69 : memref<100096x16xf32, #tpu.memory_space<hbm>>) dst(%arg8 : memref<512x16xf32, #tpu.memory_space<vmem>>)
    %add3A_70 = arith.constant 100864 : i32
    %add3A_71 = arith.addi %mul3A_35, %add3A_70 : i32
    %dma_wait3A_72 = tpu.memref_slice %arg3[%add3A_71] : memref<3244032xi32, #tpu.memory_space<hbm>> -> memref<512xi32, #tpu.memory_space<hbm>>
    %dma_wait3A_73 = tpu.memref_slice %arg3[%add3A_71] : memref<3244032xi32, #tpu.memory_space<hbm>> -> memref<512xi32, #tpu.memory_space<hbm>>
    tpu.wait_dma2 semaphore(%arg18 : memref<!tpu.dma_semaphore, #tpu.memory_space<semaphore_mem>>) src(%dma_wait3A_73 : memref<512xi32, #tpu.memory_space<hbm>>) dst(%arg9 : memref<512xi32, #tpu.memory_space<vmem>>)
    %add3A_74 = arith.constant 100864 : i32
    %add3A_75 = arith.addi %mul3A_35, %add3A_74 : i32
    %dma_wait3A_76 = tpu.memref_slice %arg4[%add3A_75] : memref<3244032xi32, #tpu.memory_space<hbm>> -> memref<512xi32, #tpu.memory_space<hbm>>
    %dma_wait3A_77 = tpu.memref_slice %arg4[%add3A_75] : memref<3244032xi32, #tpu.memory_space<hbm>> -> memref<512xi32, #tpu.memory_space<hbm>>
    tpu.wait_dma2 semaphore(%arg18 : memref<!tpu.dma_semaphore, #tpu.memory_space<semaphore_mem>>) src(%dma_wait3A_77 : memref<512xi32, #tpu.memory_space<hbm>>) dst(%arg10 : memref<512xi32, #tpu.memory_space<vmem>>)
    %barrier3A_78 = arith.constant 0 : index
    tpu.barrier barrier_id(%barrier3A_78)
    %mul3A_79 = arith.constant 6256 : i32
    %mul3A_80 = arith.muli %arg1, %mul3A_79 : i32
    %mul3A_81 = arith.constant 6256 : i32
    %mul3A_82 = arith.muli %arg1, %mul3A_81 : i32
    "tpu.region"() ({
      %run_scoped3A = tpu.sem_alloc : memref<!tpu.dma_semaphore, #tpu.memory_space<semaphore_mem>>
      %dma_start3A_83 = arith.constant 0 : i32
      %dma_start3A_84 = arith.constant 0 : i32
      %dma_start3A_85 = tpu.memref_slice %arg5[%arg0, %dma_start3A_83, %dma_start3A_84] : memref<2x100096x16xf32, #tpu.memory_space<hbm>> -> memref<1x100096x16xf32, #tpu.memory_space<hbm>>
      %dma_start3A_86 = tpu.memref_squeeze %dma_start3A_85 : memref<1x100096x16xf32, #tpu.memory_space<hbm>> -> memref<100096x16xf32, #tpu.memory_space<hbm>>
      %dma_start3A_87 = arith.constant 0 : i32
      %dma_start3A_88 = tpu.memref_slice %dma_start3A_86[%mul3A_82, %dma_start3A_87] : memref<100096x16xf32, #tpu.memory_space<hbm>> -> memref<6256x16xf32, #tpu.memory_space<hbm>>
      %dma_start3A_89 = arith.constant 0 : i32
      %dma_start3A_90 = tpu.memref_slice %arg12[%mul3A_80, %dma_start3A_89] : memref<100096x16xf32, #tpu.memory_space<vmem_shared>> -> memref<6256x16xf32, #tpu.memory_space<vmem_shared>>
      tpu.enqueue_dma source(%dma_start3A_90 : memref<6256x16xf32, #tpu.memory_space<vmem_shared>>) target(%dma_start3A_88 : memref<6256x16xf32, #tpu.memory_space<hbm>>) target_semaphore(%run_scoped3A : memref<!tpu.dma_semaphore, #tpu.memory_space<semaphore_mem>>)
      %dma_wait3A_91 = arith.constant 0 : i32
      %dma_wait3A_92 = arith.constant 0 : i32
      %dma_wait3A_93 = tpu.memref_slice %arg5[%arg0, %dma_wait3A_91, %dma_wait3A_92] : memref<2x100096x16xf32, #tpu.memory_space<hbm>> -> memref<1x100096x16xf32, #tpu.memory_space<hbm>>
      %dma_wait3A_94 = tpu.memref_squeeze %dma_wait3A_93 : memref<1x100096x16xf32, #tpu.memory_space<hbm>> -> memref<100096x16xf32, #tpu.memory_space<hbm>>
      %dma_wait3A_95 = arith.constant 0 : i32
      %dma_wait3A_96 = tpu.memref_slice %dma_wait3A_94[%mul3A_82, %dma_wait3A_95] : memref<100096x16xf32, #tpu.memory_space<hbm>> -> memref<6256x16xf32, #tpu.memory_space<hbm>>
      %dma_wait3A_97 = arith.constant 0 : i32
      %dma_wait3A_98 = tpu.memref_slice %arg12[%mul3A_80, %dma_wait3A_97] : memref<100096x16xf32, #tpu.memory_space<vmem_shared>> -> memref<6256x16xf32, #tpu.memory_space<vmem_shared>>
      tpu.wait_dma2 semaphore(%run_scoped3A : memref<!tpu.dma_semaphore, #tpu.memory_space<semaphore_mem>>) src(%dma_wait3A_98 : memref<6256x16xf32, #tpu.memory_space<vmem_shared>>) dst(%dma_wait3A_96 : memref<6256x16xf32, #tpu.memory_space<hbm>>)
      tpu.yield
    }) : () -> ()
    return
  }
}

#map = affine_map<(d0, d1) -> (0, 0)>
#map1 = affine_map<(d0, d1) -> (0)>
#map2 = affine_map<(d0, d1) -> (0, 0, 0)>
module attributes {stable_mosaic.version = 14 : i64} {
  func.func @_sc_aggregate_body(%arg0: i32, %arg1: i32, %arg2: memref<100096x16xf32, #tpu.memory_space<hbm>>, %arg3: memref<3244032xi32, #tpu.memory_space<hbm>>, %arg4: memref<3244032xi32, #tpu.memory_space<hbm>>, %arg5: memref<2x100096x16xf32, #tpu.memory_space<hbm>>, %arg6: memref<512xi32, #tpu.memory_space<vmem>>, %arg7: memref<512xi32, #tpu.memory_space<vmem>>, %arg8: memref<512x16xf32, #tpu.memory_space<vmem>>, %arg9: memref<512xi32, #tpu.memory_space<vmem>>, %arg10: memref<512xi32, #tpu.memory_space<vmem>>, %arg11: memref<512x16xf32, #tpu.memory_space<vmem>>, %arg12: memref<100096x16xf32, #tpu.memory_space<vmem_shared>>, %arg13: memref<!tpu.dma_semaphore, #tpu.memory_space<semaphore_mem>>, %arg14: memref<!tpu.dma_semaphore, #tpu.memory_space<semaphore_mem>>, %arg15: memref<!tpu.dma_semaphore, #tpu.memory_space<semaphore_mem>>, %arg16: memref<!tpu.dma_semaphore, #tpu.memory_space<semaphore_mem>>, %arg17: memref<!tpu.dma_semaphore, #tpu.memory_space<semaphore_mem>>, %arg18: memref<!tpu.dma_semaphore, #tpu.memory_space<semaphore_mem>>) attributes {dimension_semantics = [#tpu.dimension_semantics<core_parallel>, #tpu.dimension_semantics<subcore_parallel>], iteration_bounds = array<i64: 2, 16>, scalar_prefetch = 0 : i64, scratch_operands = 13 : i64, tpu.core_type = #tpu.core_type<sc_vector_subcore>, window_params = [{transform_indices = #map}, {transform_indices = #map1}, {transform_indices = #map1}, {transform_indices = #map2}]} {
    %mul3A = arith.constant 2 : i32
    %mul3A_0 = arith.muli %arg1, %mul3A : i32
    %add3A = arith.addi %mul3A_0, %arg0 : i32
    %scan3A = arith.constant 0 : i32
    %scan3A_1 = arith.constant 0 : i32
    %scan3A_2 = arith.constant 512 : i32
    %scan3A_3 = arith.addi %scan3A_1, %scan3A_2 : i32
    %scan3A_4 = arith.constant 1 : i32
    scf.for %scan3A_83 = %scan3A_1 to %scan3A_3 step %scan3A_4  : i32 {
      %broadcast_in_dim3A = arith.constant 0.000000e+00 : f32
      %broadcast_in_dim3A_84 = vector.broadcast %broadcast_in_dim3A : f32 to vector<16xf32>
      %swap3A = arith.index_cast %scan3A_83 : i32 to index
      %swap3A_85 = arith.constant 0 : index
      %swap3A_86 = tpu.vector_load %arg8[%swap3A, %swap3A_85] {strides = array<i32>} : memref<512x16xf32, #tpu.memory_space<vmem>>, vector<1x16xf32>,
      %swap3A_87 = vector.shape_cast %swap3A_86 : vector<1x16xf32> to vector<16xf32>
      %swap3A_88 = vector.shape_cast %broadcast_in_dim3A_84 : vector<16xf32> to vector<1x16xf32>
      tpu.vector_store %arg8[%swap3A, %swap3A_85], %swap3A_88 {strides = array<i32>} : memref<512x16xf32, #tpu.memory_space<vmem>>, vector<1x16xf32>,
    }
    %scan3A_5 = arith.constant 512 : i32
    %mul3A_6 = arith.constant 6256 : i32
    %mul3A_7 = arith.muli %arg1, %mul3A_6 : i32
    %add3A_8 = arith.constant 0 : i32
    %add3A_9 = arith.addi %mul3A_7, %add3A_8 : i32
    "tpu.region"() ({
      %run_scoped3A = tpu.sem_alloc : memref<!tpu.dma_semaphore, #tpu.memory_space<semaphore_mem>>
      %dma_start3A_83 = arith.constant 0 : i32
      %dma_start3A_84 = tpu.memref_slice %arg12[%add3A_9, %dma_start3A_83] : memref<100096x16xf32, #tpu.memory_space<vmem_shared>> -> memref<512x16xf32, #tpu.memory_space<vmem_shared>>
      %dma_start3A_85 = arith.constant 0 : i32
      %dma_start3A_86 = tpu.memref_slice %arg12[%add3A_9, %dma_start3A_85] : memref<100096x16xf32, #tpu.memory_space<vmem_shared>> -> memref<512x16xf32, #tpu.memory_space<vmem_shared>>
      tpu.enqueue_dma source(%arg8 : memref<512x16xf32, #tpu.memory_space<vmem>>) target(%dma_start3A_86 : memref<512x16xf32, #tpu.memory_space<vmem_shared>>) target_semaphore(%run_scoped3A : memref<!tpu.dma_semaphore, #tpu.memory_space<semaphore_mem>>)
      %dma_wait3A_87 = arith.constant 0 : i32
      %dma_wait3A_88 = tpu.memref_slice %arg12[%add3A_9, %dma_wait3A_87] : memref<100096x16xf32, #tpu.memory_space<vmem_shared>> -> memref<512x16xf32, #tpu.memory_space<vmem_shared>>
      %dma_wait3A_89 = arith.constant 0 : i32
      %dma_wait3A_90 = tpu.memref_slice %arg12[%add3A_9, %dma_wait3A_89] : memref<100096x16xf32, #tpu.memory_space<vmem_shared>> -> memref<512x16xf32, #tpu.memory_space<vmem_shared>>
      tpu.wait_dma2 semaphore(%run_scoped3A : memref<!tpu.dma_semaphore, #tpu.memory_space<semaphore_mem>>) src(%arg8 : memref<512x16xf32, #tpu.memory_space<vmem>>) dst(%dma_wait3A_90 : memref<512x16xf32, #tpu.memory_space<vmem_shared>>)
      tpu.yield
    }) : () -> ()
    %add3A_10 = arith.constant 512 : i32
    %add3A_11 = arith.addi %mul3A_7, %add3A_10 : i32
    "tpu.region"() ({
      %run_scoped3A = tpu.sem_alloc : memref<!tpu.dma_semaphore, #tpu.memory_space<semaphore_mem>>
      %dma_start3A_83 = arith.constant 0 : i32
      %dma_start3A_84 = tpu.memref_slice %arg12[%add3A_11, %dma_start3A_83] : memref<100096x16xf32, #tpu.memory_space<vmem_shared>> -> memref<512x16xf32, #tpu.memory_space<vmem_shared>>
      %dma_start3A_85 = arith.constant 0 : i32
      %dma_start3A_86 = tpu.memref_slice %arg12[%add3A_11, %dma_start3A_85] : memref<100096x16xf32, #tpu.memory_space<vmem_shared>> -> memref<512x16xf32, #tpu.memory_space<vmem_shared>>
      tpu.enqueue_dma source(%arg8 : memref<512x16xf32, #tpu.memory_space<vmem>>) target(%dma_start3A_86 : memref<512x16xf32, #tpu.memory_space<vmem_shared>>) target_semaphore(%run_scoped3A : memref<!tpu.dma_semaphore, #tpu.memory_space<semaphore_mem>>)
      %dma_wait3A_87 = arith.constant 0 : i32
      %dma_wait3A_88 = tpu.memref_slice %arg12[%add3A_11, %dma_wait3A_87] : memref<100096x16xf32, #tpu.memory_space<vmem_shared>> -> memref<512x16xf32, #tpu.memory_space<vmem_shared>>
      %dma_wait3A_89 = arith.constant 0 : i32
      %dma_wait3A_90 = tpu.memref_slice %arg12[%add3A_11, %dma_wait3A_89] : memref<100096x16xf32, #tpu.memory_space<vmem_shared>> -> memref<512x16xf32, #tpu.memory_space<vmem_shared>>
      tpu.wait_dma2 semaphore(%run_scoped3A : memref<!tpu.dma_semaphore, #tpu.memory_space<semaphore_mem>>) src(%arg8 : memref<512x16xf32, #tpu.memory_space<vmem>>) dst(%dma_wait3A_90 : memref<512x16xf32, #tpu.memory_space<vmem_shared>>)
      tpu.yield
    }) : () -> ()
    %add3A_12 = arith.constant 1024 : i32
    %add3A_13 = arith.addi %mul3A_7, %add3A_12 : i32
    "tpu.region"() ({
      %run_scoped3A = tpu.sem_alloc : memref<!tpu.dma_semaphore, #tpu.memory_space<semaphore_mem>>
      %dma_start3A_83 = arith.constant 0 : i32
      %dma_start3A_84 = tpu.memref_slice %arg12[%add3A_13, %dma_start3A_83] : memref<100096x16xf32, #tpu.memory_space<vmem_shared>> -> memref<512x16xf32, #tpu.memory_space<vmem_shared>>
      %dma_start3A_85 = arith.constant 0 : i32
      %dma_start3A_86 = tpu.memref_slice %arg12[%add3A_13, %dma_start3A_85] : memref<100096x16xf32, #tpu.memory_space<vmem_shared>> -> memref<512x16xf32, #tpu.memory_space<vmem_shared>>
      tpu.enqueue_dma source(%arg8 : memref<512x16xf32, #tpu.memory_space<vmem>>) target(%dma_start3A_86 : memref<512x16xf32, #tpu.memory_space<vmem_shared>>) target_semaphore(%run_scoped3A : memref<!tpu.dma_semaphore, #tpu.memory_space<semaphore_mem>>)
      %dma_wait3A_87 = arith.constant 0 : i32
      %dma_wait3A_88 = tpu.memref_slice %arg12[%add3A_13, %dma_wait3A_87] : memref<100096x16xf32, #tpu.memory_space<vmem_shared>> -> memref<512x16xf32, #tpu.memory_space<vmem_shared>>
      %dma_wait3A_89 = arith.constant 0 : i32
      %dma_wait3A_90 = tpu.memref_slice %arg12[%add3A_13, %dma_wait3A_89] : memref<100096x16xf32, #tpu.memory_space<vmem_shared>> -> memref<512x16xf32, #tpu.memory_space<vmem_shared>>
      tpu.wait_dma2 semaphore(%run_scoped3A : memref<!tpu.dma_semaphore, #tpu.memory_space<semaphore_mem>>) src(%arg8 : memref<512x16xf32, #tpu.memory_space<vmem>>) dst(%dma_wait3A_90 : memref<512x16xf32, #tpu.memory_space<vmem_shared>>)
      tpu.yield
    }) : () -> ()
    %add3A_14 = arith.constant 1536 : i32
    %add3A_15 = arith.addi %mul3A_7, %add3A_14 : i32
    "tpu.region"() ({
      %run_scoped3A = tpu.sem_alloc : memref<!tpu.dma_semaphore, #tpu.memory_space<semaphore_mem>>
      %dma_start3A_83 = arith.constant 0 : i32
      %dma_start3A_84 = tpu.memref_slice %arg12[%add3A_15, %dma_start3A_83] : memref<100096x16xf32, #tpu.memory_space<vmem_shared>> -> memref<512x16xf32, #tpu.memory_space<vmem_shared>>
      %dma_start3A_85 = arith.constant 0 : i32
      %dma_start3A_86 = tpu.memref_slice %arg12[%add3A_15, %dma_start3A_85] : memref<100096x16xf32, #tpu.memory_space<vmem_shared>> -> memref<512x16xf32, #tpu.memory_space<vmem_shared>>
      tpu.enqueue_dma source(%arg8 : memref<512x16xf32, #tpu.memory_space<vmem>>) target(%dma_start3A_86 : memref<512x16xf32, #tpu.memory_space<vmem_shared>>) target_semaphore(%run_scoped3A : memref<!tpu.dma_semaphore, #tpu.memory_space<semaphore_mem>>)
      %dma_wait3A_87 = arith.constant 0 : i32
      %dma_wait3A_88 = tpu.memref_slice %arg12[%add3A_15, %dma_wait3A_87] : memref<100096x16xf32, #tpu.memory_space<vmem_shared>> -> memref<512x16xf32, #tpu.memory_space<vmem_shared>>
      %dma_wait3A_89 = arith.constant 0 : i32
      %dma_wait3A_90 = tpu.memref_slice %arg12[%add3A_15, %dma_wait3A_89] : memref<100096x16xf32, #tpu.memory_space<vmem_shared>> -> memref<512x16xf32, #tpu.memory_space<vmem_shared>>
      tpu.wait_dma2 semaphore(%run_scoped3A : memref<!tpu.dma_semaphore, #tpu.memory_space<semaphore_mem>>) src(%arg8 : memref<512x16xf32, #tpu.memory_space<vmem>>) dst(%dma_wait3A_90 : memref<512x16xf32, #tpu.memory_space<vmem_shared>>)
      tpu.yield
    }) : () -> ()
    %add3A_16 = arith.constant 2048 : i32
    %add3A_17 = arith.addi %mul3A_7, %add3A_16 : i32
    "tpu.region"() ({
      %run_scoped3A = tpu.sem_alloc : memref<!tpu.dma_semaphore, #tpu.memory_space<semaphore_mem>>
      %dma_start3A_83 = arith.constant 0 : i32
      %dma_start3A_84 = tpu.memref_slice %arg12[%add3A_17, %dma_start3A_83] : memref<100096x16xf32, #tpu.memory_space<vmem_shared>> -> memref<512x16xf32, #tpu.memory_space<vmem_shared>>
      %dma_start3A_85 = arith.constant 0 : i32
      %dma_start3A_86 = tpu.memref_slice %arg12[%add3A_17, %dma_start3A_85] : memref<100096x16xf32, #tpu.memory_space<vmem_shared>> -> memref<512x16xf32, #tpu.memory_space<vmem_shared>>
      tpu.enqueue_dma source(%arg8 : memref<512x16xf32, #tpu.memory_space<vmem>>) target(%dma_start3A_86 : memref<512x16xf32, #tpu.memory_space<vmem_shared>>) target_semaphore(%run_scoped3A : memref<!tpu.dma_semaphore, #tpu.memory_space<semaphore_mem>>)
      %dma_wait3A_87 = arith.constant 0 : i32
      %dma_wait3A_88 = tpu.memref_slice %arg12[%add3A_17, %dma_wait3A_87] : memref<100096x16xf32, #tpu.memory_space<vmem_shared>> -> memref<512x16xf32, #tpu.memory_space<vmem_shared>>
      %dma_wait3A_89 = arith.constant 0 : i32
      %dma_wait3A_90 = tpu.memref_slice %arg12[%add3A_17, %dma_wait3A_89] : memref<100096x16xf32, #tpu.memory_space<vmem_shared>> -> memref<512x16xf32, #tpu.memory_space<vmem_shared>>
      tpu.wait_dma2 semaphore(%run_scoped3A : memref<!tpu.dma_semaphore, #tpu.memory_space<semaphore_mem>>) src(%arg8 : memref<512x16xf32, #tpu.memory_space<vmem>>) dst(%dma_wait3A_90 : memref<512x16xf32, #tpu.memory_space<vmem_shared>>)
      tpu.yield
    }) : () -> ()
    %add3A_18 = arith.constant 2560 : i32
    %add3A_19 = arith.addi %mul3A_7, %add3A_18 : i32
    "tpu.region"() ({
      %run_scoped3A = tpu.sem_alloc : memref<!tpu.dma_semaphore, #tpu.memory_space<semaphore_mem>>
      %dma_start3A_83 = arith.constant 0 : i32
      %dma_start3A_84 = tpu.memref_slice %arg12[%add3A_19, %dma_start3A_83] : memref<100096x16xf32, #tpu.memory_space<vmem_shared>> -> memref<512x16xf32, #tpu.memory_space<vmem_shared>>
      %dma_start3A_85 = arith.constant 0 : i32
      %dma_start3A_86 = tpu.memref_slice %arg12[%add3A_19, %dma_start3A_85] : memref<100096x16xf32, #tpu.memory_space<vmem_shared>> -> memref<512x16xf32, #tpu.memory_space<vmem_shared>>
      tpu.enqueue_dma source(%arg8 : memref<512x16xf32, #tpu.memory_space<vmem>>) target(%dma_start3A_86 : memref<512x16xf32, #tpu.memory_space<vmem_shared>>) target_semaphore(%run_scoped3A : memref<!tpu.dma_semaphore, #tpu.memory_space<semaphore_mem>>)
      %dma_wait3A_87 = arith.constant 0 : i32
      %dma_wait3A_88 = tpu.memref_slice %arg12[%add3A_19, %dma_wait3A_87] : memref<100096x16xf32, #tpu.memory_space<vmem_shared>> -> memref<512x16xf32, #tpu.memory_space<vmem_shared>>
      %dma_wait3A_89 = arith.constant 0 : i32
      %dma_wait3A_90 = tpu.memref_slice %arg12[%add3A_19, %dma_wait3A_89] : memref<100096x16xf32, #tpu.memory_space<vmem_shared>> -> memref<512x16xf32, #tpu.memory_space<vmem_shared>>
      tpu.wait_dma2 semaphore(%run_scoped3A : memref<!tpu.dma_semaphore, #tpu.memory_space<semaphore_mem>>) src(%arg8 : memref<512x16xf32, #tpu.memory_space<vmem>>) dst(%dma_wait3A_90 : memref<512x16xf32, #tpu.memory_space<vmem_shared>>)
      tpu.yield
    }) : () -> ()
    %add3A_20 = arith.constant 3072 : i32
    %add3A_21 = arith.addi %mul3A_7, %add3A_20 : i32
    "tpu.region"() ({
      %run_scoped3A = tpu.sem_alloc : memref<!tpu.dma_semaphore, #tpu.memory_space<semaphore_mem>>
      %dma_start3A_83 = arith.constant 0 : i32
      %dma_start3A_84 = tpu.memref_slice %arg12[%add3A_21, %dma_start3A_83] : memref<100096x16xf32, #tpu.memory_space<vmem_shared>> -> memref<512x16xf32, #tpu.memory_space<vmem_shared>>
      %dma_start3A_85 = arith.constant 0 : i32
      %dma_start3A_86 = tpu.memref_slice %arg12[%add3A_21, %dma_start3A_85] : memref<100096x16xf32, #tpu.memory_space<vmem_shared>> -> memref<512x16xf32, #tpu.memory_space<vmem_shared>>
      tpu.enqueue_dma source(%arg8 : memref<512x16xf32, #tpu.memory_space<vmem>>) target(%dma_start3A_86 : memref<512x16xf32, #tpu.memory_space<vmem_shared>>) target_semaphore(%run_scoped3A : memref<!tpu.dma_semaphore, #tpu.memory_space<semaphore_mem>>)
      %dma_wait3A_87 = arith.constant 0 : i32
      %dma_wait3A_88 = tpu.memref_slice %arg12[%add3A_21, %dma_wait3A_87] : memref<100096x16xf32, #tpu.memory_space<vmem_shared>> -> memref<512x16xf32, #tpu.memory_space<vmem_shared>>
      %dma_wait3A_89 = arith.constant 0 : i32
      %dma_wait3A_90 = tpu.memref_slice %arg12[%add3A_21, %dma_wait3A_89] : memref<100096x16xf32, #tpu.memory_space<vmem_shared>> -> memref<512x16xf32, #tpu.memory_space<vmem_shared>>
      tpu.wait_dma2 semaphore(%run_scoped3A : memref<!tpu.dma_semaphore, #tpu.memory_space<semaphore_mem>>) src(%arg8 : memref<512x16xf32, #tpu.memory_space<vmem>>) dst(%dma_wait3A_90 : memref<512x16xf32, #tpu.memory_space<vmem_shared>>)
      tpu.yield
    }) : () -> ()
    %add3A_22 = arith.constant 3584 : i32
    %add3A_23 = arith.addi %mul3A_7, %add3A_22 : i32
    "tpu.region"() ({
      %run_scoped3A = tpu.sem_alloc : memref<!tpu.dma_semaphore, #tpu.memory_space<semaphore_mem>>
      %dma_start3A_83 = arith.constant 0 : i32
      %dma_start3A_84 = tpu.memref_slice %arg12[%add3A_23, %dma_start3A_83] : memref<100096x16xf32, #tpu.memory_space<vmem_shared>> -> memref<512x16xf32, #tpu.memory_space<vmem_shared>>
      %dma_start3A_85 = arith.constant 0 : i32
      %dma_start3A_86 = tpu.memref_slice %arg12[%add3A_23, %dma_start3A_85] : memref<100096x16xf32, #tpu.memory_space<vmem_shared>> -> memref<512x16xf32, #tpu.memory_space<vmem_shared>>
      tpu.enqueue_dma source(%arg8 : memref<512x16xf32, #tpu.memory_space<vmem>>) target(%dma_start3A_86 : memref<512x16xf32, #tpu.memory_space<vmem_shared>>) target_semaphore(%run_scoped3A : memref<!tpu.dma_semaphore, #tpu.memory_space<semaphore_mem>>)
      %dma_wait3A_87 = arith.constant 0 : i32
      %dma_wait3A_88 = tpu.memref_slice %arg12[%add3A_23, %dma_wait3A_87] : memref<100096x16xf32, #tpu.memory_space<vmem_shared>> -> memref<512x16xf32, #tpu.memory_space<vmem_shared>>
      %dma_wait3A_89 = arith.constant 0 : i32
      %dma_wait3A_90 = tpu.memref_slice %arg12[%add3A_23, %dma_wait3A_89] : memref<100096x16xf32, #tpu.memory_space<vmem_shared>> -> memref<512x16xf32, #tpu.memory_space<vmem_shared>>
      tpu.wait_dma2 semaphore(%run_scoped3A : memref<!tpu.dma_semaphore, #tpu.memory_space<semaphore_mem>>) src(%arg8 : memref<512x16xf32, #tpu.memory_space<vmem>>) dst(%dma_wait3A_90 : memref<512x16xf32, #tpu.memory_space<vmem_shared>>)
      tpu.yield
    }) : () -> ()
    %add3A_24 = arith.constant 4096 : i32
    %add3A_25 = arith.addi %mul3A_7, %add3A_24 : i32
    "tpu.region"() ({
      %run_scoped3A = tpu.sem_alloc : memref<!tpu.dma_semaphore, #tpu.memory_space<semaphore_mem>>
      %dma_start3A_83 = arith.constant 0 : i32
      %dma_start3A_84 = tpu.memref_slice %arg12[%add3A_25, %dma_start3A_83] : memref<100096x16xf32, #tpu.memory_space<vmem_shared>> -> memref<512x16xf32, #tpu.memory_space<vmem_shared>>
      %dma_start3A_85 = arith.constant 0 : i32
      %dma_start3A_86 = tpu.memref_slice %arg12[%add3A_25, %dma_start3A_85] : memref<100096x16xf32, #tpu.memory_space<vmem_shared>> -> memref<512x16xf32, #tpu.memory_space<vmem_shared>>
      tpu.enqueue_dma source(%arg8 : memref<512x16xf32, #tpu.memory_space<vmem>>) target(%dma_start3A_86 : memref<512x16xf32, #tpu.memory_space<vmem_shared>>) target_semaphore(%run_scoped3A : memref<!tpu.dma_semaphore, #tpu.memory_space<semaphore_mem>>)
      %dma_wait3A_87 = arith.constant 0 : i32
      %dma_wait3A_88 = tpu.memref_slice %arg12[%add3A_25, %dma_wait3A_87] : memref<100096x16xf32, #tpu.memory_space<vmem_shared>> -> memref<512x16xf32, #tpu.memory_space<vmem_shared>>
      %dma_wait3A_89 = arith.constant 0 : i32
      %dma_wait3A_90 = tpu.memref_slice %arg12[%add3A_25, %dma_wait3A_89] : memref<100096x16xf32, #tpu.memory_space<vmem_shared>> -> memref<512x16xf32, #tpu.memory_space<vmem_shared>>
      tpu.wait_dma2 semaphore(%run_scoped3A : memref<!tpu.dma_semaphore, #tpu.memory_space<semaphore_mem>>) src(%arg8 : memref<512x16xf32, #tpu.memory_space<vmem>>) dst(%dma_wait3A_90 : memref<512x16xf32, #tpu.memory_space<vmem_shared>>)
      tpu.yield
    }) : () -> ()
    %add3A_26 = arith.constant 4608 : i32
    %add3A_27 = arith.addi %mul3A_7, %add3A_26 : i32
    "tpu.region"() ({
      %run_scoped3A = tpu.sem_alloc : memref<!tpu.dma_semaphore, #tpu.memory_space<semaphore_mem>>
      %dma_start3A_83 = arith.constant 0 : i32
      %dma_start3A_84 = tpu.memref_slice %arg12[%add3A_27, %dma_start3A_83] : memref<100096x16xf32, #tpu.memory_space<vmem_shared>> -> memref<512x16xf32, #tpu.memory_space<vmem_shared>>
      %dma_start3A_85 = arith.constant 0 : i32
      %dma_start3A_86 = tpu.memref_slice %arg12[%add3A_27, %dma_start3A_85] : memref<100096x16xf32, #tpu.memory_space<vmem_shared>> -> memref<512x16xf32, #tpu.memory_space<vmem_shared>>
      tpu.enqueue_dma source(%arg8 : memref<512x16xf32, #tpu.memory_space<vmem>>) target(%dma_start3A_86 : memref<512x16xf32, #tpu.memory_space<vmem_shared>>) target_semaphore(%run_scoped3A : memref<!tpu.dma_semaphore, #tpu.memory_space<semaphore_mem>>)
      %dma_wait3A_87 = arith.constant 0 : i32
      %dma_wait3A_88 = tpu.memref_slice %arg12[%add3A_27, %dma_wait3A_87] : memref<100096x16xf32, #tpu.memory_space<vmem_shared>> -> memref<512x16xf32, #tpu.memory_space<vmem_shared>>
      %dma_wait3A_89 = arith.constant 0 : i32
      %dma_wait3A_90 = tpu.memref_slice %arg12[%add3A_27, %dma_wait3A_89] : memref<100096x16xf32, #tpu.memory_space<vmem_shared>> -> memref<512x16xf32, #tpu.memory_space<vmem_shared>>
      tpu.wait_dma2 semaphore(%run_scoped3A : memref<!tpu.dma_semaphore, #tpu.memory_space<semaphore_mem>>) src(%arg8 : memref<512x16xf32, #tpu.memory_space<vmem>>) dst(%dma_wait3A_90 : memref<512x16xf32, #tpu.memory_space<vmem_shared>>)
      tpu.yield
    }) : () -> ()
    %add3A_28 = arith.constant 5120 : i32
    %add3A_29 = arith.addi %mul3A_7, %add3A_28 : i32
    "tpu.region"() ({
      %run_scoped3A = tpu.sem_alloc : memref<!tpu.dma_semaphore, #tpu.memory_space<semaphore_mem>>
      %dma_start3A_83 = arith.constant 0 : i32
      %dma_start3A_84 = tpu.memref_slice %arg12[%add3A_29, %dma_start3A_83] : memref<100096x16xf32, #tpu.memory_space<vmem_shared>> -> memref<512x16xf32, #tpu.memory_space<vmem_shared>>
      %dma_start3A_85 = arith.constant 0 : i32
      %dma_start3A_86 = tpu.memref_slice %arg12[%add3A_29, %dma_start3A_85] : memref<100096x16xf32, #tpu.memory_space<vmem_shared>> -> memref<512x16xf32, #tpu.memory_space<vmem_shared>>
      tpu.enqueue_dma source(%arg8 : memref<512x16xf32, #tpu.memory_space<vmem>>) target(%dma_start3A_86 : memref<512x16xf32, #tpu.memory_space<vmem_shared>>) target_semaphore(%run_scoped3A : memref<!tpu.dma_semaphore, #tpu.memory_space<semaphore_mem>>)
      %dma_wait3A_87 = arith.constant 0 : i32
      %dma_wait3A_88 = tpu.memref_slice %arg12[%add3A_29, %dma_wait3A_87] : memref<100096x16xf32, #tpu.memory_space<vmem_shared>> -> memref<512x16xf32, #tpu.memory_space<vmem_shared>>
      %dma_wait3A_89 = arith.constant 0 : i32
      %dma_wait3A_90 = tpu.memref_slice %arg12[%add3A_29, %dma_wait3A_89] : memref<100096x16xf32, #tpu.memory_space<vmem_shared>> -> memref<512x16xf32, #tpu.memory_space<vmem_shared>>
      tpu.wait_dma2 semaphore(%run_scoped3A : memref<!tpu.dma_semaphore, #tpu.memory_space<semaphore_mem>>) src(%arg8 : memref<512x16xf32, #tpu.memory_space<vmem>>) dst(%dma_wait3A_90 : memref<512x16xf32, #tpu.memory_space<vmem_shared>>)
      tpu.yield
    }) : () -> ()
    %add3A_30 = arith.constant 5632 : i32
    %add3A_31 = arith.addi %mul3A_7, %add3A_30 : i32
    "tpu.region"() ({
      %run_scoped3A = tpu.sem_alloc : memref<!tpu.dma_semaphore, #tpu.memory_space<semaphore_mem>>
      %dma_start3A_83 = arith.constant 0 : i32
      %dma_start3A_84 = tpu.memref_slice %arg12[%add3A_31, %dma_start3A_83] : memref<100096x16xf32, #tpu.memory_space<vmem_shared>> -> memref<512x16xf32, #tpu.memory_space<vmem_shared>>
      %dma_start3A_85 = arith.constant 0 : i32
      %dma_start3A_86 = tpu.memref_slice %arg12[%add3A_31, %dma_start3A_85] : memref<100096x16xf32, #tpu.memory_space<vmem_shared>> -> memref<512x16xf32, #tpu.memory_space<vmem_shared>>
      tpu.enqueue_dma source(%arg8 : memref<512x16xf32, #tpu.memory_space<vmem>>) target(%dma_start3A_86 : memref<512x16xf32, #tpu.memory_space<vmem_shared>>) target_semaphore(%run_scoped3A : memref<!tpu.dma_semaphore, #tpu.memory_space<semaphore_mem>>)
      %dma_wait3A_87 = arith.constant 0 : i32
      %dma_wait3A_88 = tpu.memref_slice %arg12[%add3A_31, %dma_wait3A_87] : memref<100096x16xf32, #tpu.memory_space<vmem_shared>> -> memref<512x16xf32, #tpu.memory_space<vmem_shared>>
      %dma_wait3A_89 = arith.constant 0 : i32
      %dma_wait3A_90 = tpu.memref_slice %arg12[%add3A_31, %dma_wait3A_89] : memref<100096x16xf32, #tpu.memory_space<vmem_shared>> -> memref<512x16xf32, #tpu.memory_space<vmem_shared>>
      tpu.wait_dma2 semaphore(%run_scoped3A : memref<!tpu.dma_semaphore, #tpu.memory_space<semaphore_mem>>) src(%arg8 : memref<512x16xf32, #tpu.memory_space<vmem>>) dst(%dma_wait3A_90 : memref<512x16xf32, #tpu.memory_space<vmem_shared>>)
      tpu.yield
    }) : () -> ()
    %add3A_32 = arith.constant 6144 : i32
    %add3A_33 = arith.addi %mul3A_7, %add3A_32 : i32
    "tpu.region"() ({
      %run_scoped3A = tpu.sem_alloc : memref<!tpu.dma_semaphore, #tpu.memory_space<semaphore_mem>>
      %dma_start3A_83 = arith.constant 0 : i32
      %dma_start3A_84 = arith.constant 0 : i32
      %dma_start3A_85 = tpu.memref_slice %arg8[%dma_start3A_83, %dma_start3A_84] : memref<512x16xf32, #tpu.memory_space<vmem>> -> memref<112x16xf32, #tpu.memory_space<vmem>>
      %dma_start3A_86 = arith.constant 0 : i32
      %dma_start3A_87 = tpu.memref_slice %arg12[%add3A_33, %dma_start3A_86] : memref<100096x16xf32, #tpu.memory_space<vmem_shared>> -> memref<112x16xf32, #tpu.memory_space<vmem_shared>>
      %dma_start3A_88 = arith.constant 0 : i32
      %dma_start3A_89 = tpu.memref_slice %arg12[%add3A_33, %dma_start3A_88] : memref<100096x16xf32, #tpu.memory_space<vmem_shared>> -> memref<112x16xf32, #tpu.memory_space<vmem_shared>>
      %dma_start3A_90 = arith.constant 0 : i32
      %dma_start3A_91 = arith.constant 0 : i32
      %dma_start3A_92 = tpu.memref_slice %arg8[%dma_start3A_90, %dma_start3A_91] : memref<512x16xf32, #tpu.memory_space<vmem>> -> memref<112x16xf32, #tpu.memory_space<vmem>>
      tpu.enqueue_dma source(%dma_start3A_92 : memref<112x16xf32, #tpu.memory_space<vmem>>) target(%dma_start3A_89 : memref<112x16xf32, #tpu.memory_space<vmem_shared>>) target_semaphore(%run_scoped3A : memref<!tpu.dma_semaphore, #tpu.memory_space<semaphore_mem>>)
      %dma_wait3A_93 = arith.constant 0 : i32
      %dma_wait3A_94 = arith.constant 0 : i32
      %dma_wait3A_95 = tpu.memref_slice %arg8[%dma_wait3A_93, %dma_wait3A_94] : memref<512x16xf32, #tpu.memory_space<vmem>> -> memref<112x16xf32, #tpu.memory_space<vmem>>
      %dma_wait3A_96 = arith.constant 0 : i32
      %dma_wait3A_97 = tpu.memref_slice %arg12[%add3A_33, %dma_wait3A_96] : memref<100096x16xf32, #tpu.memory_space<vmem_shared>> -> memref<112x16xf32, #tpu.memory_space<vmem_shared>>
      %dma_wait3A_98 = arith.constant 0 : i32
      %dma_wait3A_99 = tpu.memref_slice %arg12[%add3A_33, %dma_wait3A_98] : memref<100096x16xf32, #tpu.memory_space<vmem_shared>> -> memref<112x16xf32, #tpu.memory_space<vmem_shared>>
      %dma_wait3A_100 = arith.constant 0 : i32
      %dma_wait3A_101 = arith.constant 0 : i32
      %dma_wait3A_102 = tpu.memref_slice %arg8[%dma_wait3A_100, %dma_wait3A_101] : memref<512x16xf32, #tpu.memory_space<vmem>> -> memref<112x16xf32, #tpu.memory_space<vmem>>
      tpu.wait_dma2 semaphore(%run_scoped3A : memref<!tpu.dma_semaphore, #tpu.memory_space<semaphore_mem>>) src(%dma_wait3A_102 : memref<112x16xf32, #tpu.memory_space<vmem>>) dst(%dma_wait3A_99 : memref<112x16xf32, #tpu.memory_space<vmem_shared>>)
      tpu.yield
    }) : () -> ()
    %barrier3A = arith.constant 0 : index
    tpu.barrier barrier_id(%barrier3A)
    %mul3A_34 = arith.constant 101376 : i32
    %mul3A_35 = arith.muli %add3A, %mul3A_34 : i32
    %add3A_36 = arith.constant 0 : i32
    %add3A_37 = arith.addi %mul3A_35, %add3A_36 : i32
    %dma_start3A = tpu.memref_slice %arg3[%add3A_37] : memref<3244032xi32, #tpu.memory_space<hbm>> -> memref<512xi32, #tpu.memory_space<hbm>>
    %dma_start3A_38 = tpu.memref_slice %arg3[%add3A_37] : memref<3244032xi32, #tpu.memory_space<hbm>> -> memref<512xi32, #tpu.memory_space<hbm>>
    tpu.enqueue_dma source(%dma_start3A_38 : memref<512xi32, #tpu.memory_space<hbm>>) target(%arg6 : memref<512xi32, #tpu.memory_space<vmem>>) target_semaphore(%arg17 : memref<!tpu.dma_semaphore, #tpu.memory_space<semaphore_mem>>)
    %add3A_39 = arith.constant 0 : i32
    %add3A_40 = arith.addi %mul3A_35, %add3A_39 : i32
    %dma_start3A_41 = tpu.memref_slice %arg4[%add3A_40] : memref<3244032xi32, #tpu.memory_space<hbm>> -> memref<512xi32, #tpu.memory_space<hbm>>
    %dma_start3A_42 = tpu.memref_slice %arg4[%add3A_40] : memref<3244032xi32, #tpu.memory_space<hbm>> -> memref<512xi32, #tpu.memory_space<hbm>>
    tpu.enqueue_dma source(%dma_start3A_42 : memref<512xi32, #tpu.memory_space<hbm>>) target(%arg7 : memref<512xi32, #tpu.memory_space<vmem>>) target_semaphore(%arg17 : memref<!tpu.dma_semaphore, #tpu.memory_space<semaphore_mem>>)
    %add3A_43 = arith.constant 0 : i32
    %add3A_44 = arith.addi %mul3A_35, %add3A_43 : i32
    %dma_wait3A = tpu.memref_slice %arg3[%add3A_44] : memref<3244032xi32, #tpu.memory_space<hbm>> -> memref<512xi32, #tpu.memory_space<hbm>>
    %dma_wait3A_45 = tpu.memref_slice %arg3[%add3A_44] : memref<3244032xi32, #tpu.memory_space<hbm>> -> memref<512xi32, #tpu.memory_space<hbm>>
    tpu.wait_dma2 semaphore(%arg17 : memref<!tpu.dma_semaphore, #tpu.memory_space<semaphore_mem>>) src(%dma_wait3A_45 : memref<512xi32, #tpu.memory_space<hbm>>) dst(%arg6 : memref<512xi32, #tpu.memory_space<vmem>>)
    %add3A_46 = arith.constant 0 : i32
    %add3A_47 = arith.addi %mul3A_35, %add3A_46 : i32
    %dma_wait3A_48 = tpu.memref_slice %arg4[%add3A_47] : memref<3244032xi32, #tpu.memory_space<hbm>> -> memref<512xi32, #tpu.memory_space<hbm>>
    %dma_wait3A_49 = tpu.memref_slice %arg4[%add3A_47] : memref<3244032xi32, #tpu.memory_space<hbm>> -> memref<512xi32, #tpu.memory_space<hbm>>
    tpu.wait_dma2 semaphore(%arg17 : memref<!tpu.dma_semaphore, #tpu.memory_space<semaphore_mem>>) src(%dma_wait3A_49 : memref<512xi32, #tpu.memory_space<hbm>>) dst(%arg7 : memref<512xi32, #tpu.memory_space<vmem>>)
    %dma_start3A_50 = arith.constant 0 : i32
    %dma_start3A_51 = arith.constant 0 : i32
    %dma_start3A_52 = tpu.memref_slice %arg2[%dma_start3A_50, %dma_start3A_51] : memref<100096x16xf32, #tpu.memory_space<hbm>> -> memref<100096x16xf32, #tpu.memory_space<hbm>>
    tpu.enqueue_indirect_dma source(%dma_start3A_52 : memref<100096x16xf32, #tpu.memory_space<hbm>>) target(%arg8 : memref<512x16xf32, #tpu.memory_space<vmem>>) offsets(%arg6 : memref<512xi32, #tpu.memory_space<vmem>>) semaphore(%arg13 : memref<!tpu.dma_semaphore, #tpu.memory_space<semaphore_mem>>)
    %add3A_53 = arith.constant 512 : i32
    %add3A_54 = arith.addi %mul3A_35, %add3A_53 : i32
    %dma_start3A_55 = tpu.memref_slice %arg3[%add3A_54] : memref<3244032xi32, #tpu.memory_space<hbm>> -> memref<512xi32, #tpu.memory_space<hbm>>
    %dma_start3A_56 = tpu.memref_slice %arg3[%add3A_54] : memref<3244032xi32, #tpu.memory_space<hbm>> -> memref<512xi32, #tpu.memory_space<hbm>>
    tpu.enqueue_dma source(%dma_start3A_56 : memref<512xi32, #tpu.memory_space<hbm>>) target(%arg9 : memref<512xi32, #tpu.memory_space<vmem>>) target_semaphore(%arg18 : memref<!tpu.dma_semaphore, #tpu.memory_space<semaphore_mem>>)
    %add3A_57 = arith.constant 512 : i32
    %add3A_58 = arith.addi %mul3A_35, %add3A_57 : i32
    %dma_start3A_59 = tpu.memref_slice %arg4[%add3A_58] : memref<3244032xi32, #tpu.memory_space<hbm>> -> memref<512xi32, #tpu.memory_space<hbm>>
    %dma_start3A_60 = tpu.memref_slice %arg4[%add3A_58] : memref<3244032xi32, #tpu.memory_space<hbm>> -> memref<512xi32, #tpu.memory_space<hbm>>
    tpu.enqueue_dma source(%dma_start3A_60 : memref<512xi32, #tpu.memory_space<hbm>>) target(%arg10 : memref<512xi32, #tpu.memory_space<vmem>>) target_semaphore(%arg18 : memref<!tpu.dma_semaphore, #tpu.memory_space<semaphore_mem>>)
    %scan3A_61 = arith.constant 0 : i32
    %scan3A_62 = arith.constant 0 : i32
    %scan3A_63 = arith.constant 98 : i32
    %scan3A_64 = arith.addi %scan3A_62, %scan3A_63 : i32
    %scan3A_65 = arith.constant 1 : i32
    scf.for %scan3A_83 = %scan3A_62 to %scan3A_64 step %scan3A_65  : i32 {
      %mul3A_84 = arith.constant 2 : i32
      %mul3A_85 = arith.muli %mul3A_84, %scan3A_83 : i32
      %add3A_86 = arith.constant 1 : i32
      %add3A_87 = arith.addi %mul3A_85, %add3A_86 : i32
      %mul3A_88 = arith.constant 512 : i32
      %mul3A_89 = arith.muli %add3A_87, %mul3A_88 : i32
      %add3A_90 = arith.addi %mul3A_35, %mul3A_89 : i32
      %dma_wait3A_91 = tpu.memref_slice %arg3[%add3A_90] : memref<3244032xi32, #tpu.memory_space<hbm>> -> memref<512xi32, #tpu.memory_space<hbm>>
      %dma_wait3A_92 = tpu.memref_slice %arg3[%add3A_90] : memref<3244032xi32, #tpu.memory_space<hbm>> -> memref<512xi32, #tpu.memory_space<hbm>>
      tpu.wait_dma2 semaphore(%arg18 : memref<!tpu.dma_semaphore, #tpu.memory_space<semaphore_mem>>) src(%dma_wait3A_92 : memref<512xi32, #tpu.memory_space<hbm>>) dst(%arg9 : memref<512xi32, #tpu.memory_space<vmem>>)
      %mul3A_93 = arith.constant 512 : i32
      %mul3A_94 = arith.muli %add3A_87, %mul3A_93 : i32
      %add3A_95 = arith.addi %mul3A_35, %mul3A_94 : i32
      %dma_wait3A_96 = tpu.memref_slice %arg4[%add3A_95] : memref<3244032xi32, #tpu.memory_space<hbm>> -> memref<512xi32, #tpu.memory_space<hbm>>
      %dma_wait3A_97 = tpu.memref_slice %arg4[%add3A_95] : memref<3244032xi32, #tpu.memory_space<hbm>> -> memref<512xi32, #tpu.memory_space<hbm>>
      tpu.wait_dma2 semaphore(%arg18 : memref<!tpu.dma_semaphore, #tpu.memory_space<semaphore_mem>>) src(%dma_wait3A_97 : memref<512xi32, #tpu.memory_space<hbm>>) dst(%arg10 : memref<512xi32, #tpu.memory_space<vmem>>)
      %dma_start3A_98 = arith.constant 0 : i32
      %dma_start3A_99 = arith.constant 0 : i32
      %dma_start3A_100 = tpu.memref_slice %arg2[%dma_start3A_98, %dma_start3A_99] : memref<100096x16xf32, #tpu.memory_space<hbm>> -> memref<100096x16xf32, #tpu.memory_space<hbm>>
      tpu.enqueue_indirect_dma source(%dma_start3A_100 : memref<100096x16xf32, #tpu.memory_space<hbm>>) target(%arg11 : memref<512x16xf32, #tpu.memory_space<vmem>>) offsets(%arg9 : memref<512xi32, #tpu.memory_space<vmem>>) semaphore(%arg14 : memref<!tpu.dma_semaphore, #tpu.memory_space<semaphore_mem>>)
      %dma_wait3A_101 = arith.constant 0 : i32
      %dma_wait3A_102 = arith.constant 0 : i32
      %dma_wait3A_103 = tpu.memref_slice %arg2[%dma_wait3A_101, %dma_wait3A_102] : memref<100096x16xf32, #tpu.memory_space<hbm>> -> memref<100096x16xf32, #tpu.memory_space<hbm>>
      tpu.wait_indirect_dma semaphore(%arg13 : memref<!tpu.dma_semaphore, #tpu.memory_space<semaphore_mem>>) src(%dma_wait3A_103 : memref<100096x16xf32, #tpu.memory_space<hbm>>) dst(%arg8 : memref<512x16xf32, #tpu.memory_space<vmem>>)
      %dma_start3A_104 = arith.constant 0 : i32
      %dma_start3A_105 = arith.constant 0 : i32
      %dma_start3A_106 = tpu.memref_slice %arg12[%dma_start3A_104, %dma_start3A_105] : memref<100096x16xf32, #tpu.memory_space<vmem_shared>> -> memref<100096x16xf32, #tpu.memory_space<vmem_shared>>
      tpu.enqueue_indirect_dma source(%arg8 : memref<512x16xf32, #tpu.memory_space<vmem>>) target(%dma_start3A_106 : memref<100096x16xf32, #tpu.memory_space<vmem_shared>>) offsets(%arg7 : memref<512xi32, #tpu.memory_space<vmem>>) semaphore(%arg15 : memref<!tpu.dma_semaphore, #tpu.memory_space<semaphore_mem>>) {add = true}
      %dma_wait3A_107 = arith.constant 0 : i32
      %dma_wait3A_108 = arith.constant 0 : i32
      %dma_wait3A_109 = tpu.memref_slice %arg12[%dma_wait3A_107, %dma_wait3A_108] : memref<100096x16xf32, #tpu.memory_space<vmem_shared>> -> memref<100096x16xf32, #tpu.memory_space<vmem_shared>>
      tpu.wait_indirect_dma semaphore(%arg15 : memref<!tpu.dma_semaphore, #tpu.memory_space<semaphore_mem>>) src(%arg8 : memref<512x16xf32, #tpu.memory_space<vmem>>) dst(%dma_wait3A_109 : memref<100096x16xf32, #tpu.memory_space<vmem_shared>>)
      %add3A_110 = arith.constant 2 : i32
      %add3A_111 = arith.addi %mul3A_85, %add3A_110 : i32
      %mul3A_112 = arith.constant 512 : i32
      %mul3A_113 = arith.muli %add3A_111, %mul3A_112 : i32
      %add3A_114 = arith.addi %mul3A_35, %mul3A_113 : i32
      %dma_start3A_115 = tpu.memref_slice %arg3[%add3A_114] : memref<3244032xi32, #tpu.memory_space<hbm>> -> memref<512xi32, #tpu.memory_space<hbm>>
      %dma_start3A_116 = tpu.memref_slice %arg3[%add3A_114] : memref<3244032xi32, #tpu.memory_space<hbm>> -> memref<512xi32, #tpu.memory_space<hbm>>
      tpu.enqueue_dma source(%dma_start3A_116 : memref<512xi32, #tpu.memory_space<hbm>>) target(%arg6 : memref<512xi32, #tpu.memory_space<vmem>>) target_semaphore(%arg17 : memref<!tpu.dma_semaphore, #tpu.memory_space<semaphore_mem>>)
      %mul3A_117 = arith.constant 512 : i32
      %mul3A_118 = arith.muli %add3A_111, %mul3A_117 : i32
      %add3A_119 = arith.addi %mul3A_35, %mul3A_118 : i32
      %dma_start3A_120 = tpu.memref_slice %arg4[%add3A_119] : memref<3244032xi32, #tpu.memory_space<hbm>> -> memref<512xi32, #tpu.memory_space<hbm>>
      %dma_start3A_121 = tpu.memref_slice %arg4[%add3A_119] : memref<3244032xi32, #tpu.memory_space<hbm>> -> memref<512xi32, #tpu.memory_space<hbm>>
      tpu.enqueue_dma source(%dma_start3A_121 : memref<512xi32, #tpu.memory_space<hbm>>) target(%arg7 : memref<512xi32, #tpu.memory_space<vmem>>) target_semaphore(%arg17 : memref<!tpu.dma_semaphore, #tpu.memory_space<semaphore_mem>>)
      %dma_wait3A_122 = arith.constant 0 : i32
      %dma_wait3A_123 = arith.constant 0 : i32
      %dma_wait3A_124 = tpu.memref_slice %arg2[%dma_wait3A_122, %dma_wait3A_123] : memref<100096x16xf32, #tpu.memory_space<hbm>> -> memref<100096x16xf32, #tpu.memory_space<hbm>>
      tpu.wait_indirect_dma semaphore(%arg14 : memref<!tpu.dma_semaphore, #tpu.memory_space<semaphore_mem>>) src(%dma_wait3A_124 : memref<100096x16xf32, #tpu.memory_space<hbm>>) dst(%arg11 : memref<512x16xf32, #tpu.memory_space<vmem>>)
      %dma_start3A_125 = arith.constant 0 : i32
      %dma_start3A_126 = arith.constant 0 : i32
      %dma_start3A_127 = tpu.memref_slice %arg12[%dma_start3A_125, %dma_start3A_126] : memref<100096x16xf32, #tpu.memory_space<vmem_shared>> -> memref<100096x16xf32, #tpu.memory_space<vmem_shared>>
      tpu.enqueue_indirect_dma source(%arg11 : memref<512x16xf32, #tpu.memory_space<vmem>>) target(%dma_start3A_127 : memref<100096x16xf32, #tpu.memory_space<vmem_shared>>) offsets(%arg10 : memref<512xi32, #tpu.memory_space<vmem>>) semaphore(%arg16 : memref<!tpu.dma_semaphore, #tpu.memory_space<semaphore_mem>>) {add = true}
      %dma_wait3A_128 = arith.constant 0 : i32
      %dma_wait3A_129 = arith.constant 0 : i32
      %dma_wait3A_130 = tpu.memref_slice %arg12[%dma_wait3A_128, %dma_wait3A_129] : memref<100096x16xf32, #tpu.memory_space<vmem_shared>> -> memref<100096x16xf32, #tpu.memory_space<vmem_shared>>
      tpu.wait_indirect_dma semaphore(%arg16 : memref<!tpu.dma_semaphore, #tpu.memory_space<semaphore_mem>>) src(%arg11 : memref<512x16xf32, #tpu.memory_space<vmem>>) dst(%dma_wait3A_130 : memref<100096x16xf32, #tpu.memory_space<vmem_shared>>)
      %add3A_131 = arith.constant 3 : i32
      %add3A_132 = arith.addi %mul3A_85, %add3A_131 : i32
      %mul3A_133 = arith.constant 512 : i32
      %mul3A_134 = arith.muli %add3A_132, %mul3A_133 : i32
      %add3A_135 = arith.addi %mul3A_35, %mul3A_134 : i32
      %dma_start3A_136 = tpu.memref_slice %arg3[%add3A_135] : memref<3244032xi32, #tpu.memory_space<hbm>> -> memref<512xi32, #tpu.memory_space<hbm>>
      %dma_start3A_137 = tpu.memref_slice %arg3[%add3A_135] : memref<3244032xi32, #tpu.memory_space<hbm>> -> memref<512xi32, #tpu.memory_space<hbm>>
      tpu.enqueue_dma source(%dma_start3A_137 : memref<512xi32, #tpu.memory_space<hbm>>) target(%arg9 : memref<512xi32, #tpu.memory_space<vmem>>) target_semaphore(%arg18 : memref<!tpu.dma_semaphore, #tpu.memory_space<semaphore_mem>>)
      %mul3A_138 = arith.constant 512 : i32
      %mul3A_139 = arith.muli %add3A_132, %mul3A_138 : i32
      %add3A_140 = arith.addi %mul3A_35, %mul3A_139 : i32
      %dma_start3A_141 = tpu.memref_slice %arg4[%add3A_140] : memref<3244032xi32, #tpu.memory_space<hbm>> -> memref<512xi32, #tpu.memory_space<hbm>>
      %dma_start3A_142 = tpu.memref_slice %arg4[%add3A_140] : memref<3244032xi32, #tpu.memory_space<hbm>> -> memref<512xi32, #tpu.memory_space<hbm>>
      tpu.enqueue_dma source(%dma_start3A_142 : memref<512xi32, #tpu.memory_space<hbm>>) target(%arg10 : memref<512xi32, #tpu.memory_space<vmem>>) target_semaphore(%arg18 : memref<!tpu.dma_semaphore, #tpu.memory_space<semaphore_mem>>)
      %add3A_143 = arith.constant 2 : i32
      %add3A_144 = arith.addi %mul3A_85, %add3A_143 : i32
      %mul3A_145 = arith.constant 512 : i32
      %mul3A_146 = arith.muli %add3A_144, %mul3A_145 : i32
      %add3A_147 = arith.addi %mul3A_35, %mul3A_146 : i32
      %dma_wait3A_148 = tpu.memref_slice %arg3[%add3A_147] : memref<3244032xi32, #tpu.memory_space<hbm>> -> memref<512xi32, #tpu.memory_space<hbm>>
      %dma_wait3A_149 = tpu.memref_slice %arg3[%add3A_147] : memref<3244032xi32, #tpu.memory_space<hbm>> -> memref<512xi32, #tpu.memory_space<hbm>>
      tpu.wait_dma2 semaphore(%arg17 : memref<!tpu.dma_semaphore, #tpu.memory_space<semaphore_mem>>) src(%dma_wait3A_149 : memref<512xi32, #tpu.memory_space<hbm>>) dst(%arg6 : memref<512xi32, #tpu.memory_space<vmem>>)
      %mul3A_150 = arith.constant 512 : i32
      %mul3A_151 = arith.muli %add3A_144, %mul3A_150 : i32
      %add3A_152 = arith.addi %mul3A_35, %mul3A_151 : i32
      %dma_wait3A_153 = tpu.memref_slice %arg4[%add3A_152] : memref<3244032xi32, #tpu.memory_space<hbm>> -> memref<512xi32, #tpu.memory_space<hbm>>
      %dma_wait3A_154 = tpu.memref_slice %arg4[%add3A_152] : memref<3244032xi32, #tpu.memory_space<hbm>> -> memref<512xi32, #tpu.memory_space<hbm>>
      tpu.wait_dma2 semaphore(%arg17 : memref<!tpu.dma_semaphore, #tpu.memory_space<semaphore_mem>>) src(%dma_wait3A_154 : memref<512xi32, #tpu.memory_space<hbm>>) dst(%arg7 : memref<512xi32, #tpu.memory_space<vmem>>)
      %dma_start3A_155 = arith.constant 0 : i32
      %dma_start3A_156 = arith.constant 0 : i32
      %dma_start3A_157 = tpu.memref_slice %arg2[%dma_start3A_155, %dma_start3A_156] : memref<100096x16xf32, #tpu.memory_space<hbm>> -> memref<100096x16xf32, #tpu.memory_space<hbm>>
      tpu.enqueue_indirect_dma source(%dma_start3A_157 : memref<100096x16xf32, #tpu.memory_space<hbm>>) target(%arg8 : memref<512x16xf32, #tpu.memory_space<vmem>>) offsets(%arg6 : memref<512xi32, #tpu.memory_space<vmem>>) semaphore(%arg13 : memref<!tpu.dma_semaphore, #tpu.memory_space<semaphore_mem>>)
    }
    %scan3A_66 = arith.constant 98 : i32
    %dma_wait3A_67 = arith.constant 0 : i32
    %dma_wait3A_68 = arith.constant 0 : i32
    %dma_wait3A_69 = tpu.memref_slice %arg2[%dma_wait3A_67, %dma_wait3A_68] : memref<100096x16xf32, #tpu.memory_space<hbm>> -> memref<100096x16xf32, #tpu.memory_space<hbm>>
    tpu.wait_indirect_dma semaphore(%arg13 : memref<!tpu.dma_semaphore, #tpu.memory_space<semaphore_mem>>) src(%dma_wait3A_69 : memref<100096x16xf32, #tpu.memory_space<hbm>>) dst(%arg8 : memref<512x16xf32, #tpu.memory_space<vmem>>)
    %add3A_70 = arith.constant 100864 : i32
    %add3A_71 = arith.addi %mul3A_35, %add3A_70 : i32
    %dma_wait3A_72 = tpu.memref_slice %arg3[%add3A_71] : memref<3244032xi32, #tpu.memory_space<hbm>> -> memref<512xi32, #tpu.memory_space<hbm>>
    %dma_wait3A_73 = tpu.memref_slice %arg3[%add3A_71] : memref<3244032xi32, #tpu.memory_space<hbm>> -> memref<512xi32, #tpu.memory_space<hbm>>
    tpu.wait_dma2 semaphore(%arg18 : memref<!tpu.dma_semaphore, #tpu.memory_space<semaphore_mem>>) src(%dma_wait3A_73 : memref<512xi32, #tpu.memory_space<hbm>>) dst(%arg9 : memref<512xi32, #tpu.memory_space<vmem>>)
    %add3A_74 = arith.constant 100864 : i32
    %add3A_75 = arith.addi %mul3A_35, %add3A_74 : i32
    %dma_wait3A_76 = tpu.memref_slice %arg4[%add3A_75] : memref<3244032xi32, #tpu.memory_space<hbm>> -> memref<512xi32, #tpu.memory_space<hbm>>
    %dma_wait3A_77 = tpu.memref_slice %arg4[%add3A_75] : memref<3244032xi32, #tpu.memory_space<hbm>> -> memref<512xi32, #tpu.memory_space<hbm>>
    tpu.wait_dma2 semaphore(%arg18 : memref<!tpu.dma_semaphore, #tpu.memory_space<semaphore_mem>>) src(%dma_wait3A_77 : memref<512xi32, #tpu.memory_space<hbm>>) dst(%arg10 : memref<512xi32, #tpu.memory_space<vmem>>)
    %barrier3A_78 = arith.constant 0 : index
    tpu.barrier barrier_id(%barrier3A_78)
    %mul3A_79 = arith.constant 6256 : i32
    %mul3A_80 = arith.muli %arg1, %mul3A_79 : i32
    %mul3A_81 = arith.constant 6256 : i32
    %mul3A_82 = arith.muli %arg1, %mul3A_81 : i32
    "tpu.region"() ({
      %run_scoped3A = tpu.sem_alloc : memref<!tpu.dma_semaphore, #tpu.memory_space<semaphore_mem>>
      %dma_start3A_83 = arith.constant 0 : i32
      %dma_start3A_84 = arith.constant 0 : i32
      %dma_start3A_85 = tpu.memref_slice %arg5[%arg0, %dma_start3A_83, %dma_start3A_84] : memref<2x100096x16xf32, #tpu.memory_space<hbm>> -> memref<1x100096x16xf32, #tpu.memory_space<hbm>>
      %dma_start3A_86 = tpu.memref_squeeze %dma_start3A_85 : memref<1x100096x16xf32, #tpu.memory_space<hbm>> -> memref<100096x16xf32, #tpu.memory_space<hbm>>
      %dma_start3A_87 = arith.constant 0 : i32
      %dma_start3A_88 = tpu.memref_slice %dma_start3A_86[%mul3A_82, %dma_start3A_87] : memref<100096x16xf32, #tpu.memory_space<hbm>> -> memref<6256x16xf32, #tpu.memory_space<hbm>>
      %dma_start3A_89 = arith.constant 0 : i32
      %dma_start3A_90 = tpu.memref_slice %arg12[%mul3A_80, %dma_start3A_89] : memref<100096x16xf32, #tpu.memory_space<vmem_shared>> -> memref<6256x16xf32, #tpu.memory_space<vmem_shared>>
      tpu.enqueue_dma source(%dma_start3A_90 : memref<6256x16xf32, #tpu.memory_space<vmem_shared>>) target(%dma_start3A_88 : memref<6256x16xf32, #tpu.memory_space<hbm>>) target_semaphore(%run_scoped3A : memref<!tpu.dma_semaphore, #tpu.memory_space<semaphore_mem>>)
      %dma_wait3A_91 = arith.constant 0 : i32
      %dma_wait3A_92 = arith.constant 0 : i32
      %dma_wait3A_93 = tpu.memref_slice %arg5[%arg0, %dma_wait3A_91, %dma_wait3A_92] : memref<2x100096x16xf32, #tpu.memory_space<hbm>> -> memref<1x100096x16xf32, #tpu.memory_space<hbm>>
      %dma_wait3A_94 = tpu.memref_squeeze %dma_wait3A_93 : memref<1x100096x16xf32, #tpu.memory_space<hbm>> -> memref<100096x16xf32, #tpu.memory_space<hbm>>
      %dma_wait3A_95 = arith.constant 0 : i32
      %dma_wait3A_96 = tpu.memref_slice %dma_wait3A_94[%mul3A_82, %dma_wait3A_95] : memref<100096x16xf32, #tpu.memory_space<hbm>> -> memref<6256x16xf32, #tpu.memory_space<hbm>>
      %dma_wait3A_97 = arith.constant 0 : i32
      %dma_wait3A_98 = tpu.memref_slice %arg12[%mul3A_80, %dma_wait3A_97] : memref<100096x16xf32, #tpu.memory_space<vmem_shared>> -> memref<6256x16xf32, #tpu.memory_space<vmem_shared>>
      tpu.wait_dma2 semaphore(%run_scoped3A : memref<!tpu.dma_semaphore, #tpu.memory_space<semaphore_mem>>) src(%dma_wait3A_98 : memref<6256x16xf32, #tpu.memory_space<vmem_shared>>) dst(%dma_wait3A_96 : memref<6256x16xf32, #tpu.memory_space<hbm>>)
      tpu.yield
    }) : () -> ()
    return
  }
}

module attributes {stable_mosaic.version = 14 : i64} {
  func.func @_tc_layer1_body(%arg0: i32, %arg1: memref<2x3128x128xf32, #tpu.memory_space<vmem>>, %arg2: memref<3128x128xf32, #tpu.memory_space<vmem>>, %arg3: memref<128x128xf32, #tpu.memory_space<vmem>>, %arg4: memref<128x128xf32, #tpu.memory_space<vmem>>, %arg5: memref<128x128xf32, #tpu.memory_space<vmem>>, %arg6: memref<1x128xf32, #tpu.memory_space<vmem>>, %arg7: memref<3128x128xf32, #tpu.memory_space<vmem>>) attributes {dimension_semantics = [#tpu.dimension_semantics<arbitrary>], iteration_bounds = array<i64: 4>, scalar_prefetch = 0 : i64, scratch_operands = 0 : i64, tpu.core_type = #tpu.core_type<tc>, window_params = [{transform_indices = @transform_0, window_bounds = array<i64: 2, 3128, 128>}, {transform_indices = @transform_1, window_bounds = array<i64: 3128, 128>}, {pipeline_mode = #tpu.pipeline_mode<synchronous>, transform_indices = @transform_2, window_bounds = array<i64: 128, 128>}, {pipeline_mode = #tpu.pipeline_mode<synchronous>, transform_indices = @transform_3, window_bounds = array<i64: 128, 128>}, {pipeline_mode = #tpu.pipeline_mode<synchronous>, transform_indices = @transform_4, window_bounds = array<i64: 128, 128>}, {pipeline_mode = #tpu.pipeline_mode<synchronous>, transform_indices = @transform_5, window_bounds = array<i64: 1, 128>}, {transform_indices = @transform_6, window_bounds = array<i64: 3128, 128>}]} {
    %get3A = arith.constant 0 : index
    %get3A_0 = arith.constant 0 : index
    %get3A_1 = arith.constant 0 : index
    %get3A_2 = vector.load %arg1[%get3A, %get3A_0, %get3A_1] : memref<2x3128x128xf32, #tpu.memory_space<vmem>>, vector<1x3128x128xf32>
    %get3A_3 = vector.shape_cast %get3A_2 : vector<1x3128x128xf32> to vector<3128x128xf32>
    %get3A_4 = arith.constant 1 : index
    %get3A_5 = arith.constant 0 : index
    %get3A_6 = arith.constant 0 : index
    %get3A_7 = vector.load %arg1[%get3A_4, %get3A_5, %get3A_6] : memref<2x3128x128xf32, #tpu.memory_space<vmem>>, vector<1x3128x128xf32>
    %get3A_8 = vector.shape_cast %get3A_7 : vector<1x3128x128xf32> to vector<3128x128xf32>
    %add3A = arith.addf %get3A_3, %get3A_8 : vector<3128x128xf32>
    %get3A_9 = arith.constant 0 : index
    %get3A_10 = arith.constant 0 : index
    %get3A_11 = vector.load %arg3[%get3A_9, %get3A_10] : memref<128x128xf32, #tpu.memory_space<vmem>>, vector<128x128xf32>
    %dot_general3A = arith.constant dense<0.000000e+00> : vector<3128x128xf32>
    %dot_general3A_12 = tpu.matmul %add3A, %get3A_11, %dot_general3A {dimension_numbers = #tpu.dot_dimension_numbers<[1], [0], [0], [1], [0, 0, 1, 1], [], []>, transpose_lhs_hint = false} : vector<3128x128xf32>, vector<128x128xf32>, vector<3128x128xf32> -> vector<3128x128xf32>
    %max3A = arith.constant 1.000000e+00 : f32
    %max3A_13 = vector.broadcast %max3A : f32 to vector<3128x128xf32>
    %max3A_14 = arith.maximumf %dot_general3A_12, %max3A_13 : vector<3128x128xf32>
    %div3A = arith.divf %add3A, %max3A_14 : vector<3128x128xf32>
    %get3A_15 = arith.constant 0 : index
    %get3A_16 = arith.constant 0 : index
    %get3A_17 = vector.load %arg4[%get3A_15, %get3A_16] : memref<128x128xf32, #tpu.memory_space<vmem>>, vector<128x128xf32>
    %dot_general3A_18 = arith.constant dense<0.000000e+00> : vector<3128x128xf32>
    %dot_general3A_19 = tpu.matmul %div3A, %get3A_17, %dot_general3A_18 {dimension_numbers = #tpu.dot_dimension_numbers<[1], [0], [0], [1], [0, 0, 1, 1], [], []>, transpose_lhs_hint = false} : vector<3128x128xf32>, vector<128x128xf32>, vector<3128x128xf32> -> vector<3128x128xf32>
    %get3A_20 = arith.constant 0 : index
    %get3A_21 = arith.constant 0 : index
    %get3A_22 = vector.load %arg2[%get3A_20, %get3A_21] : memref<3128x128xf32, #tpu.memory_space<vmem>>, vector<3128x128xf32>
    %get3A_23 = arith.constant 0 : index
    %get3A_24 = arith.constant 0 : index
    %get3A_25 = vector.load %arg5[%get3A_23, %get3A_24] : memref<128x128xf32, #tpu.memory_space<vmem>>, vector<128x128xf32>
    %dot_general3A_26 = arith.constant dense<0.000000e+00> : vector<3128x128xf32>
    %dot_general3A_27 = tpu.matmul %get3A_22, %get3A_25, %dot_general3A_26 {dimension_numbers = #tpu.dot_dimension_numbers<[1], [0], [0], [1], [0, 0, 1, 1], [], []>, transpose_lhs_hint = false} : vector<3128x128xf32>, vector<128x128xf32>, vector<3128x128xf32> -> vector<3128x128xf32>
    %add3A_28 = arith.addf %dot_general3A_19, %dot_general3A_27 : vector<3128x128xf32>
    %get3A_29 = arith.constant 0 : index
    %get3A_30 = arith.constant 0 : index
    %get3A_31 = vector.load %arg6[%get3A_29, %get3A_30] : memref<1x128xf32, #tpu.memory_space<vmem>>, vector<1x128xf32>
    %add3A_32 = vector.broadcast %get3A_31 : vector<1x128xf32> to vector<3128x128xf32>
    %add3A_33 = arith.addf %add3A_28, %add3A_32 : vector<3128x128xf32>
    %max3A_34 = arith.constant 0.000000e+00 : f32
    %max3A_35 = vector.broadcast %max3A_34 : f32 to vector<3128x128xf32>
    %max3A_36 = arith.maximumf %add3A_33, %max3A_35 : vector<3128x128xf32>
    %swap3A = arith.constant 0 : index
    %swap3A_37 = arith.constant 0 : index
    %swap3A_38 = vector.load %arg7[%swap3A, %swap3A_37] : memref<3128x128xf32, #tpu.memory_space<vmem>>, vector<3128x128xf32>
    tpu.vector_store %arg7[%swap3A, %swap3A_37], %max3A_36 {strides = array<i32>} : memref<3128x128xf32, #tpu.memory_space<vmem>>, vector<3128x128xf32>,
    return
  }
  func.func @transform_0(%arg0: i32) -> (i32, i32, i32) {
    %c0_i32 = arith.constant 0 : i32
    %c0_i32_0 = arith.constant 0 : i32
    %c0_i32_1 = arith.constant 0 : i32
    return %c0_i32, %arg0, %c0_i32_0 : i32, i32, i32
  }
  func.func @transform_1(%arg0: i32) -> (i32, i32) {
    %c0_i32 = arith.constant 0 : i32
    %c0_i32_0 = arith.constant 0 : i32
    return %arg0, %c0_i32 : i32, i32
  }
  func.func @transform_2(%arg0: i32) -> (i32, i32) {
    %c0_i32 = arith.constant 0 : i32
    %c0_i32_0 = arith.constant 0 : i32
    %c0_i32_1 = arith.constant 0 : i32
    return %c0_i32, %c0_i32_0 : i32, i32
  }
  func.func @transform_3(%arg0: i32) -> (i32, i32) {
    %c0_i32 = arith.constant 0 : i32
    %c0_i32_0 = arith.constant 0 : i32
    %c0_i32_1 = arith.constant 0 : i32
    return %c0_i32, %c0_i32_0 : i32, i32
  }
  func.func @transform_4(%arg0: i32) -> (i32, i32) {
    %c0_i32 = arith.constant 0 : i32
    %c0_i32_0 = arith.constant 0 : i32
    %c0_i32_1 = arith.constant 0 : i32
    return %c0_i32, %c0_i32_0 : i32, i32
  }
  func.func @transform_5(%arg0: i32) -> (i32, i32) {
    %c0_i32 = arith.constant 0 : i32
    %c0_i32_0 = arith.constant 0 : i32
    %c0_i32_1 = arith.constant 0 : i32
    return %c0_i32, %c0_i32_0 : i32, i32
  }
  func.func @transform_6(%arg0: i32) -> (i32, i32) {
    %c0_i32 = arith.constant 0 : i32
    %c0_i32_0 = arith.constant 0 : i32
    return %arg0, %c0_i32 : i32, i32
  }
}

module attributes {stable_mosaic.version = 14 : i64} {
  func.func @_tc_layer2_body(%arg0: i32, %arg1: memref<2x3128x128xf32, #tpu.memory_space<vmem>>, %arg2: memref<2x3128x128xf32, #tpu.memory_space<vmem>>, %arg3: memref<3128x128xf32, #tpu.memory_space<vmem>>, %arg4: memref<128x128xf32, #tpu.memory_space<vmem>>, %arg5: memref<128x128xf32, #tpu.memory_space<vmem>>, %arg6: memref<128x128xf32, #tpu.memory_space<vmem>>, %arg7: memref<1x128xf32, #tpu.memory_space<vmem>>, %arg8: memref<3128x128xf32, #tpu.memory_space<vmem>>) attributes {dimension_semantics = [#tpu.dimension_semantics<arbitrary>], iteration_bounds = array<i64: 4>, scalar_prefetch = 0 : i64, scratch_operands = 0 : i64, tpu.core_type = #tpu.core_type<tc>, window_params = [{transform_indices = @transform_0, window_bounds = array<i64: 2, 3128, 128>}, {transform_indices = @transform_1, window_bounds = array<i64: 2, 3128, 128>}, {transform_indices = @transform_2, window_bounds = array<i64: 3128, 128>}, {pipeline_mode = #tpu.pipeline_mode<synchronous>, transform_indices = @transform_3, window_bounds = array<i64: 128, 128>}, {pipeline_mode = #tpu.pipeline_mode<synchronous>, transform_indices = @transform_4, window_bounds = array<i64: 128, 128>}, {pipeline_mode = #tpu.pipeline_mode<synchronous>, transform_indices = @transform_5, window_bounds = array<i64: 128, 128>}, {pipeline_mode = #tpu.pipeline_mode<synchronous>, transform_indices = @transform_6, window_bounds = array<i64: 1, 128>}, {transform_indices = @transform_7, window_bounds = array<i64: 3128, 128>}]} {
    %get3A = arith.constant 0 : index
    %get3A_0 = arith.constant 0 : index
    %get3A_1 = arith.constant 0 : index
    %get3A_2 = vector.load %arg2[%get3A, %get3A_0, %get3A_1] : memref<2x3128x128xf32, #tpu.memory_space<vmem>>, vector<1x3128x128xf32>
    %get3A_3 = vector.shape_cast %get3A_2 : vector<1x3128x128xf32> to vector<3128x128xf32>
    %get3A_4 = arith.constant 1 : index
    %get3A_5 = arith.constant 0 : index
    %get3A_6 = arith.constant 0 : index
    %get3A_7 = vector.load %arg2[%get3A_4, %get3A_5, %get3A_6] : memref<2x3128x128xf32, #tpu.memory_space<vmem>>, vector<1x3128x128xf32>
    %get3A_8 = vector.shape_cast %get3A_7 : vector<1x3128x128xf32> to vector<3128x128xf32>
    %add3A = arith.addf %get3A_3, %get3A_8 : vector<3128x128xf32>
    %get3A_9 = arith.constant 0 : index
    %get3A_10 = arith.constant 0 : index
    %get3A_11 = vector.load %arg4[%get3A_9, %get3A_10] : memref<128x128xf32, #tpu.memory_space<vmem>>, vector<128x128xf32>
    %dot_general3A = arith.constant dense<0.000000e+00> : vector<3128x128xf32>
    %dot_general3A_12 = tpu.matmul %add3A, %get3A_11, %dot_general3A {dimension_numbers = #tpu.dot_dimension_numbers<[1], [0], [0], [1], [0, 0, 1, 1], [], []>, transpose_lhs_hint = false} : vector<3128x128xf32>, vector<128x128xf32>, vector<3128x128xf32> -> vector<3128x128xf32>
    %max3A = arith.constant 1.000000e+00 : f32
    %max3A_13 = vector.broadcast %max3A : f32 to vector<3128x128xf32>
    %max3A_14 = arith.maximumf %dot_general3A_12, %max3A_13 : vector<3128x128xf32>
    %get3A_15 = arith.constant 0 : index
    %get3A_16 = arith.constant 0 : index
    %get3A_17 = arith.constant 0 : index
    %get3A_18 = vector.load %arg1[%get3A_15, %get3A_16, %get3A_17] : memref<2x3128x128xf32, #tpu.memory_space<vmem>>, vector<1x3128x128xf32>
    %get3A_19 = vector.shape_cast %get3A_18 : vector<1x3128x128xf32> to vector<3128x128xf32>
    %get3A_20 = arith.constant 1 : index
    %get3A_21 = arith.constant 0 : index
    %get3A_22 = arith.constant 0 : index
    %get3A_23 = vector.load %arg1[%get3A_20, %get3A_21, %get3A_22] : memref<2x3128x128xf32, #tpu.memory_space<vmem>>, vector<1x3128x128xf32>
    %get3A_24 = vector.shape_cast %get3A_23 : vector<1x3128x128xf32> to vector<3128x128xf32>
    %add3A_25 = arith.addf %get3A_19, %get3A_24 : vector<3128x128xf32>
    %div3A = arith.divf %add3A_25, %max3A_14 : vector<3128x128xf32>
    %get3A_26 = arith.constant 0 : index
    %get3A_27 = arith.constant 0 : index
    %get3A_28 = vector.load %arg5[%get3A_26, %get3A_27] : memref<128x128xf32, #tpu.memory_space<vmem>>, vector<128x128xf32>
    %dot_general3A_29 = arith.constant dense<0.000000e+00> : vector<3128x128xf32>
    %dot_general3A_30 = tpu.matmul %div3A, %get3A_28, %dot_general3A_29 {dimension_numbers = #tpu.dot_dimension_numbers<[1], [0], [0], [1], [0, 0, 1, 1], [], []>, transpose_lhs_hint = false} : vector<3128x128xf32>, vector<128x128xf32>, vector<3128x128xf32> -> vector<3128x128xf32>
    %get3A_31 = arith.constant 0 : index
    %get3A_32 = arith.constant 0 : index
    %get3A_33 = vector.load %arg3[%get3A_31, %get3A_32] : memref<3128x128xf32, #tpu.memory_space<vmem>>, vector<3128x128xf32>
    %get3A_34 = arith.constant 0 : index
    %get3A_35 = arith.constant 0 : index
    %get3A_36 = vector.load %arg6[%get3A_34, %get3A_35] : memref<128x128xf32, #tpu.memory_space<vmem>>, vector<128x128xf32>
    %dot_general3A_37 = arith.constant dense<0.000000e+00> : vector<3128x128xf32>
    %dot_general3A_38 = tpu.matmul %get3A_33, %get3A_36, %dot_general3A_37 {dimension_numbers = #tpu.dot_dimension_numbers<[1], [0], [0], [1], [0, 0, 1, 1], [], []>, transpose_lhs_hint = false} : vector<3128x128xf32>, vector<128x128xf32>, vector<3128x128xf32> -> vector<3128x128xf32>
    %add3A_39 = arith.addf %dot_general3A_30, %dot_general3A_38 : vector<3128x128xf32>
    %get3A_40 = arith.constant 0 : index
    %get3A_41 = arith.constant 0 : index
    %get3A_42 = vector.load %arg7[%get3A_40, %get3A_41] : memref<1x128xf32, #tpu.memory_space<vmem>>, vector<1x128xf32>
    %add3A_43 = vector.broadcast %get3A_42 : vector<1x128xf32> to vector<3128x128xf32>
    %add3A_44 = arith.addf %add3A_39, %add3A_43 : vector<3128x128xf32>
    %swap3A = arith.constant 0 : index
    %swap3A_45 = arith.constant 0 : index
    %swap3A_46 = vector.load %arg8[%swap3A, %swap3A_45] : memref<3128x128xf32, #tpu.memory_space<vmem>>, vector<3128x128xf32>
    tpu.vector_store %arg8[%swap3A, %swap3A_45], %add3A_44 {strides = array<i32>} : memref<3128x128xf32, #tpu.memory_space<vmem>>, vector<3128x128xf32>,
    return
  }
  func.func @transform_0(%arg0: i32) -> (i32, i32, i32) {
    %c0_i32 = arith.constant 0 : i32
    %c0_i32_0 = arith.constant 0 : i32
    %c0_i32_1 = arith.constant 0 : i32
    return %c0_i32, %arg0, %c0_i32_0 : i32, i32, i32
  }
  func.func @transform_1(%arg0: i32) -> (i32, i32, i32) {
    %c0_i32 = arith.constant 0 : i32
    %c0_i32_0 = arith.constant 0 : i32
    %c0_i32_1 = arith.constant 0 : i32
    return %c0_i32, %arg0, %c0_i32_0 : i32, i32, i32
  }
  func.func @transform_2(%arg0: i32) -> (i32, i32) {
    %c0_i32 = arith.constant 0 : i32
    %c0_i32_0 = arith.constant 0 : i32
    return %arg0, %c0_i32 : i32, i32
  }
  func.func @transform_3(%arg0: i32) -> (i32, i32) {
    %c0_i32 = arith.constant 0 : i32
    %c0_i32_0 = arith.constant 0 : i32
    %c0_i32_1 = arith.constant 0 : i32
    return %c0_i32, %c0_i32_0 : i32, i32
  }
  func.func @transform_4(%arg0: i32) -> (i32, i32) {
    %c0_i32 = arith.constant 0 : i32
    %c0_i32_0 = arith.constant 0 : i32
    %c0_i32_1 = arith.constant 0 : i32
    return %c0_i32, %c0_i32_0 : i32, i32
  }
  func.func @transform_5(%arg0: i32) -> (i32, i32) {
    %c0_i32 = arith.constant 0 : i32
    %c0_i32_0 = arith.constant 0 : i32
    %c0_i32_1 = arith.constant 0 : i32
    return %c0_i32, %c0_i32_0 : i32, i32
  }
  func.func @transform_6(%arg0: i32) -> (i32, i32) {
    %c0_i32 = arith.constant 0 : i32
    %c0_i32_0 = arith.constant 0 : i32
    %c0_i32_1 = arith.constant 0 : i32
    return %c0_i32, %c0_i32_0 : i32, i32
  }
  func.func @transform_7(%arg0: i32) -> (i32, i32) {
    %c0_i32 = arith.constant 0 : i32
    %c0_i32_0 = arith.constant 0 : i32
    return %arg0, %c0_i32 : i32, i32
  }
}

</mosaic_0001>

<sc_bundles>
// kernel: kernel.6.cloned.1.call-start
scs
__scs_entry_jumppad:
0x0: {  	(pc) =	sbr.rel $0x88, $3  }
0x1: {  	(tag) =	ssettag $0x0;
	lr =	simm.s32 $0x1  }
0x2: {  	[smem:$0x3F99] =	sst lr;
	_ =	strace $0xD0000000  }
0x3: {  	_ = 	snop  }
0x4: {  	_ = 	snop  }
0x5: {  	_ = 	snop  }
0x6: {  	_ = 	snop  }
0x7: {  	_ = 	snop  }
__scs_overlays_trampoline_lowered:
0x8: {  	[smem:$0x3FA8] =	sst s0  }
0x9: {  	[smem:$0x3FA9] =	sst s1  }
0xa: {  	[smem:$0x3FAA] =	sst s2  }
0xb: {  	[smem:$0x3FAB] =	sst s3  }
0xc: {  	[smem:$0x3FAC] =	sst s4  }
0xd: {  	[smem:$0x3FAD] =	sst s5  }
0xe: {  	[smem:$0x3FAE] =	sst s6  }
0xf: {  	[smem:$0x3FAF] =	sst s7  }
0x10: {  	[smem:$0x3FB0] =	sst s8  }
0x11: {  	[smem:$0x3FB1] =	sst s9;
	s0 =	simm.s32 @!p0 $0x0  }
0x12: {  	s1 =	sld [smem:$0x3F97];
	s0 =	simm.s32 @p0 $0x1  }
0x13: {  	[smem:$0x3FB2] =	sst s0;
	s0 =	simm.s32 @!p1 $0x0  }
0x14: {  	s2 =	sld [smem:$0x3F96];
	s0 =	simm.s32 @p1 $0x1  }
0x15: {  	[smem:$0x3FB3] =	sst s0;
	s0 =	simm.s32 @!p2 $0x0  }
0x16: {  	s3 =	sld [smem:$0x3FDB];
	s0 =	simm.s32 @p2 $0x1  }
0x17: {  	s4 =	simm.s32 $0x1BF5;
	[smem:$0x3FB5] =	sst s0  }
0x18: {  	s0 =	sld [smem:$0x3F98];
	_ =	swait.ge [sflag:s4], $0x0  }
0x19: {  	s7 =	sld [smem:$0x3F99]  }
0x1a: {  	s8 =	sadd.s32 $0xFFFFE003, lr  }
0x1b: {  	s9 =	sadd.s32 $0xFFFFFEF7, lr;
	s5 =	simm.s32 $0xFFFFFFFF;
	p2 =	slt.u32 s8, $0xFFFFF086  }
0x1c: {  	p1 =	slt.u32 s9, $0xF7A;
	s5 =	simm.s32 @!p2 $0x0  }
0x1d: {  	s5 =	simm.s32 @p1 $0x1;
	p0 =	seq.s32 s7, s2  }
0x1e: {  	s7 =	smul.u32 @!p0 $0xF7A, s2;
	p2 =	seq.s32 @!p0 s5, $0x0  }
0x1f: {  	s9 =	smul.u32 $0xF7A, s1;
	s8 =	simm.s32 @!p0 $0x1BF5;
	p2 =	por !p2, p0  }
0x20: {  	[sflag:s8] =	ssyncset.s32 @!p0 $0xFFFFF086;
	s6 =	sadd.s32 @!p0 s3, s7;
	s7 =	simm.s32 @!p0 $0x108  }
0x21: {  	s3 =	sadd.s32 s3, s9;
	s6 =	sadd.s32 @!p0 $0x88, s6;
	s7 =	simm.s32 @p2 $0x1082  }
0x22: {  	[simem:s7], [sflag:s8] =	dma.local @!p0 [hbm:s6], $0xF7A  }
0x23: {  	s9 =	sor.u32 $0xD0000000, s2;
	s6 =	simm.s32 $0x108;
	_ =	swait.ge @!p0 [sflag:s8], $0x0  }
0x24: {  	s3 =	sadd.s32 $0x88, s3;
	s6 =	simm.s32 @!p1 $0x1082;
	[sflag:s4] =	ssyncset.s32 $0xFFFFF086  }
0x25: {  	[simem:s6], [sflag:s4] =	dma.local [hbm:s3], $0xF7A  }
0x26: {  	[smem:$0x3F99] =	sst s1;
	(tag) =	ssettag s2;
	_ =	strace s9  }
0x27: {  	s1 =	sld [smem:$0x3FA9]  }
0x28: {  	s2 =	sld [smem:$0x3FAA]  }
0x29: {  	s4 =	sld [smem:$0x3FAC]  }
0x2a: {  	p0 =	seq.s32 s5, $0x0;
	s5 =	sld [smem:$0x3FAD]  }
0x2b: {  	s6 =	sld [smem:$0x3FAE]  }
0x2c: {  	s7 =	sld [smem:$0x3FAF]  }
0x2d: {  	s3 =	simm.s32 $0x108;
	s8 =	sld [smem:$0x3FB0]  }
0x2e: {  	s3 =	simm.s32 @!p0 $0x1082;
	s9 =	sld [smem:$0x3FB1]  }
0x2f: {  	lr =	sadd.s32 s0, s3;
	s0 =	sld [smem:$0x3FA8]  }
0x30: {  	s3 =	sld [smem:$0x3FAB]  }
0x31: {  	[smem:$0x3FB4] =	sst s10  }
0x32: {  	s10 =	sld [smem:$0x3FB2];
	_ =	sdelay $0x3  }
0x33: {  	p0 =	seq.s32 s10, $0x1;
	s10 =	sld [smem:$0x3FB4];
	_ =	sdelay $0x3  }
0x34: {  	[smem:$0x3FB4] =	sst s10  }
0x35: {  	s10 =	sld [smem:$0x3FB3];
	_ =	sdelay $0x3  }
0x36: {  	p1 =	seq.s32 s10, $0x1;
	s10 =	sld [smem:$0x3FB4];
	_ =	sdelay $0x3  }
0x37: {  	[smem:$0x3FB4] =	sst s10  }
0x38: {  	s10 =	sld [smem:$0x3FB5]  }
0x39: {  	_ = 	snop;
	(pc) =	sbr.ind lr, $3  }
0x3a: {  	_ = 	snop  }
0x3b: {  	_ = 	snop  }
0x3c: {  	p2 =	seq.s32 s10, $0x1;
	s10 =	sld [smem:$0x3FB4]  }
0x3d: {  	_ =	shalt  }
0x3e: {  	_ =	shalt  }
0x3f: {  	_ =	shalt  }
0x40: {  	_ =	shalt  }
0x41: {  	_ =	shalt  }
0x42: {  	_ =	shalt  }
0x43: {  	_ =	shalt  }
0x44: {  	_ =	shalt  }
0x45: {  	_ =	shalt  }
0x46: {  	_ =	shalt  }
0x47: {  	_ =	shalt  }
0x48: {  	_ =	shalt  }
0x49: {  	_ =	shalt  }
0x4a: {  	_ =	shalt  }
0x4b: {  	_ =	shalt  }
0x4c: {  	_ =	shalt  }
0x4d: {  	_ =	shalt  }
0x4e: {  	_ =	shalt  }
0x4f: {  	_ =	shalt  }
0x50: {  	_ =	shalt  }
0x51: {  	_ =	shalt  }
0x52: {  	_ =	shalt  }
0x53: {  	_ =	shalt  }
0x54: {  	_ =	shalt  }
0x55: {  	_ =	shalt  }
0x56: {  	_ =	shalt  }
0x57: {  	_ =	shalt  }
0x58: {  	_ =	shalt  }
0x59: {  	_ =	shalt  }
0x5a: {  	_ =	shalt  }
0x5b: {  	_ =	shalt  }
0x5c: {  	_ =	shalt  }
0x5d: {  	_ =	shalt  }
0x5e: {  	_ =	shalt  }
0x5f: {  	_ =	shalt  }
0x60: {  	_ =	shalt  }
0x61: {  	_ =	shalt  }
0x62: {  	_ =	shalt  }
0x63: {  	_ =	shalt  }
0x64: {  	_ =	shalt  }
0x65: {  	_ =	shalt  }
0x66: {  	_ =	shalt  }
0x67: {  	_ =	shalt  }
0x68: {  	_ =	shalt  }
0x69: {  	_ =	shalt  }
0x6a: {  	_ =	shalt  }
0x6b: {  	_ =	shalt  }
0x6c: {  	_ =	shalt  }
0x6d: {  	_ =	shalt  }
0x6e: {  	_ =	shalt  }
0x6f: {  	_ =	shalt  }
0x70: {  	_ =	shalt  }
0x71: {  	_ =	shalt  }
0x72: {  	_ =	shalt  }
0x73: {  	_ =	shalt  }
0x74: {  	_ =	shalt  }
0x75: {  	_ =	shalt  }
0x76: {  	_ =	shalt  }
0x77: {  	_ =	shalt  }
0x78: {  	_ =	shalt  }
0x79: {  	_ =	shalt  }
0x7a: {  	_ =	shalt  }
0x7b: {  	_ =	shalt  }
0x7c: {  	_ =	shalt  }
0x7d: {  	_ =	shalt  }
0x7e: {  	_ =	shalt  }
0x7f: {  	_ =	shalt  }
0x80: {  	_ =	shalt  }
0x81: {  	_ =	shalt  }
0x82: {  	_ =	shalt  }
0x83: {  	_ =	shalt  }
0x84: {  	_ =	shalt  }
0x85: {  	_ =	shalt  }
0x86: {  	_ =	shalt  }
0x87: {  	_ =	shalt  }
.Lfunc_end0:
.L_simem_size_0:
called_computation_lowered:
.L_overlay_start_0:
0x88: {  	s2 =	sld [smem:$0x3FD9]  }
0x89: {  	s3 =	sld [smem:$0x3FFE];
	_ =	sdelay $0x1  }
0x8a: {  	s1 =	srdreg.scid  }
0x8b: {  	s0 =	sand.u32 $0x1, s1  }
0x8c: {  	s17 =	sshll.u32 s0, $0xA;
	s2 =	sadd.s32 s3, s2  }
0x8d: {  	s2 =	sadd.s32 s2, s17  }
0x8e: {  	[smem:$0x3FC0] =	sst s2  }
0x8f: {  	_ = 	snop  }
0x90: {  	s2 =	sld [smem:$0x3FD0];
	(tm) =	ssettm $0x1  }
0x91: {  	s18 =	sld [smem:$0x3FFB];
	_ =	sdelay $0x3  }
0x92: {  	_ =	strace s18  }
0x93: {  	s3 =	sld [smem:$0x3FFC];
	_ =	sdelay $0x3  }
0x94: {  	_ =	strace s3  }
0x95: {  	s3 =	sld [smem:$0x3FFD];
	_ =	sdelay $0x3  }
0x96: {  	_ =	strace s3  }
0x97: {  	_ =	strace $0x8FFFFFFF  }
0x98: {  	s19 =	sld [smem:$0x3FDB];
	_ =	sdelay $0x1  }
0x99: {  	s4 =	simm.s32 $_scs_section_size  }
0x9a: {  	s5 =	simm.s32 $_size__tile_overlayer_lowered;
	s6 =	simm.s32 $_tile_overlayer_lowered  }
0x9b: {  	s22 =	simm.s32 $0x1BFF;
	s21 =	sshll.u32 s6, $0x1;
	s3 =	sadd.s32 s4, s19  }
0x9c: {  	s7 =	simm.s32 $0x0;
	s20 =	sshll.u32 s5, $0x1;
	s5 =	sadd.s32 s21, s3  }
0x9d: {  	[timem:s7], [sflag:s22] =	dma.local [hbm:s5], s20  }
0x9e: {  	_ =	swait.ge [sflag:s22], s20  }
0x9f: {  	s4 =	ssub.s32 $0x0, s20;
	[sflag:s22] =	ssyncset.done $0x0  }
0xa0: {  	[sflag:s22] =	ssyncadd.s32 s4;
	_ =	sdelay $0x1  }
0xa1: {  	s23 =	simm.s32 $0x1B8B  }
0xa2: {  	_ =	swait.ge [sflag:s23], $0x1  }
0xa3: {  	[sflag:s23] =	ssyncset.done $0x0  }
0xa4: {  	s25 =	simm.s32 $0x1B8E;
	s24 =	sld [smem:$0x3FFE];
	[sflag:s23] =	ssyncadd.s32 $0xFFFFFFFF  }
0xa5: {  	s26 =	simm.s32 $execute0_lowered;
	[smem:$0x3FD2] =	sst s25  }
0xa6: {  	s5 =	sshll.u32 s26, $0x1;
	_ =	strace $0x80000046;
	[dreg:$0x1] =	wrdreg $0xFFFFFFFF  }
0xa7: {  	s28 =	simm.s32 $_size_execute0_lowered;
	s3 =	sadd.s32 s3, s5;
	[dreg:$0x0] =	wrdreg $0x0  }
0xa8: {  	s5 =	sshll.u32 s28, $0x1;
	[dreg:$0x2] =	wrdreg s3  }
0xa9: {  	[dreg:$0x3] =	wrdreg s5  }
0xaa: {  	[dreg:$0x4] =	wrdreg $0xC0  }
0xab: {  	_ =	task [dreg:s7], $0x5FFFF  }
0xac: {  	[dreg:$0x1] =	wrdreg $0xFFFFFFFF  }
0xad: {  	[dreg:$0x0] =	wrdreg $0x60  }
0xae: {  	[dreg:$0x2] =	wrdreg s2  }
0xaf: {  	[dreg:$0x3] =	wrdreg s24  }
0xb0: {  	[dreg:$0x4] =	wrdreg $0x48000  }
0xb1: {  	[dreg:$0x5] =	wrdreg $0x9  }
0xb2: {  	_ =	task.clear_ibuf [dreg:s7], $0x6FFFF;
	_ =	strace $0x90000046  }
0xb3: {  	s29 =	simm.s32 $0x9;
	_ =	strace $0x80000048  }
0xb4: {  	_ =	swait.ge [sflag:s29], $0x1  }
0xb5: {  	[sflag:s29] =	ssyncadd.s32 $0xFFFFFFFF  }
0xb6: {  	_ =	strace $0x90000048  }
0xb7: {  	_ =	sfence  }
0xb8: {  	s30 =	sld [smem:$0x0];
	_ =	sdelay $0x2  }
0xb9: {  	s31 =	sshll.u32 s1, $0xD;
	s1 =	sshrl.u32 s1, $0x2  }
0xba: {  	s3 =	sand.u32 $0x4000, s31;
	s1 =	sadd.s32 s1, s30  }
0xbb: {  	s0 =	sor.u32 s3, s0;
	s1 =	sshll.u32 s1, $0x11  }
0xbc: {  	s0 =	sor.u32 s1, s0  }
0xbd: {  	s0 =	sadd.s32 $0x8F2B, s0  }
0xbe: {  	[sflag:s0] =	ssyncadd.remote.s32 $0x1  }
0xbf: {  	_ =	sfence.sel $0xFFFF  }
0xc0: {  	[dreg:$0x0] =	wrdreg $0xFFFFFFFF;
	(pc) =	sbr.abs _section_cstart, $3  }
0xc1: {  	[dreg:$0x1] =	wrdreg $0xFFFFFFFF  }
0xc2: {  	_ =	task.clear_ibuf [dreg:s7], $0x2FFFF;
	_ =	strace $0x9FFFFFFF  }
0xc3: {  	(tm) =	ssettm $0x7FFFFFFF  }
tec
execute0_lowered:
.L_overlay_start_1:
0x0: {  	(tag) =	ssettag $0x1  }
0x1: {  	s1 =	rddreg [dreg:$0x0]  }
0x2: {  	s0 =	rddreg [dreg:$0x1]  }
0x3: {  	s2 =	rddreg [dreg:$0x2]  }
0x4: {  	s3 =	simm.s32 $0x0;
	s4 =	srdreg.scid;
	s12 =	stileid.u32  }
0x5: {  	s30 =	simm.s32 $0x400;
	s31 =	simm.s32 $0x7;
	[smem:$0x7FF] =	sst s3  }
0x6: {  	s4 =	sand.u32 $0x1, s4;
	s5 =	sadd.s32 $0x64200, s0;
	s9 =	smul.u32 $0x61C00, s12  }
0x7: {  	s6 =	sadd.s32 $0xC7200, s0;
	s10 =	sshll.u32 s12, $0x1;
	s11 =	smul.u32 $0x18700, s12  }
0x8: {  	s12 =	smul.u32 $0x31800, s12;
	_ =	strace $0x80000047;
	s9 =	sshrl.u32 s9, $0x2  }
0x9: {  	s7 =	smul.u32 $0x30E00, s4;
	s8 =	ssub.s32 $0x2, s4;
	s9 =	sadd.s32 s9, s2  }
0xa: {  	s10 =	sor.u32 s4, s10;
	s4 =	smul.u32 $0x18C00, s4;
	s13 =	sadd.s32 $0x2000, s9  }
0xb: {  	s19 =	sshrl.u32 s8, $0x1;
	s20 =	sadd.s32 $0x4000, s9;
	[dreg:$0x4] =	wrdreg s13  }
0xc: {  	s10 =	smul.u32 $0x18C00, s10;
	s21 =	sadd.s32 $0x6000, s9;
	[dreg:$0x5] =	wrdreg s20  }
0xd: {  	s18 =	sshrl.u32 s11, $0x3;
	s22 =	sadd.s32 $0x8000, s9;
	[dreg:$0x6] =	wrdreg s21  }
0xe: {  	s0 =	sadd.s32 s7, s0;
	s23 =	sadd.s32 $0xA000, s9;
	[dreg:$0x7] =	wrdreg s22  }
0xf: {  	s8 =	ssub.s32 s8, s19;
	s24 =	sadd.s32 $0xC000, s9;
	[dreg:$0x8] =	wrdreg s23  }
0x10: {  	s7 =	sadd.s32 s11, s2;
	s25 =	sadd.s32 $0xE000, s9;
	[dreg:$0x9] =	wrdreg s24  }
0x11: {  	s4 =	sadd.s32 s4, s12;
	s26 =	sadd.s32 $0x10000, s9;
	[dreg:$0xa] =	wrdreg s25  }
0x12: {  	s11 =	simm.s32 $0x2800;
	s14 =	sadd.s32 $0x12000, s9;
	[dreg:$0xb] =	wrdreg s26  }
0x13: {  	s12 =	simm.s32 $0x1;
	s15 =	sadd.s32 $0x14000, s9;
	[dreg:$0xc] =	wrdreg s14  }
0x14: {  	s16 =	sadd.s32 $0x16000, s9;
	s9 =	sadd.s32 $0x18000, s9;
	[dreg:$0xd] =	wrdreg s15  }
0x15: {  	s17 =	sshrl.u32 s10, $0x3;
	s0 =	sadd.s32 $0x12A200, s0;
	[dreg:$0xe] =	wrdreg s16  }
0x16: {  	s29 =	sadd.s32 $0x400, s4;
	[dreg:$0xf] =	wrdreg s9;
	s10 =	sadd.s32 s5, s17  }
0x17: {  	s0 =	sadd.s32 s18, s0;
	s19 =	sor.u32 $0x40, s17;
	s20 =	sadd.s32 $0x600, s4  }
0x18: {  	s22 =	sadd.s32 s6, s17;
	s25 =	smax.u32 s8, $0x1;
	s4 =	simm.s32 $0x5  }
0x19: {  	s8 =	simm.s32 $0x2400;
	s9 =	simm.s32 $0x2600;
	s13 =	simm.s32 $0x3  }
0x1a: {  	s14 =	simm.s32 $0x2;
	s15 =	simm.s32 $0x4;
	[dreg:$0x10] =	wrdreg s10  }
0x1b: {  	s16 =	simm.s32 $0x0;
	[dreg:$0x11] =	wrdreg s0;
	s21 =	sshrl.u32 s20, $0x3  }
0x1c: {  	s23 =	sadd.s32 s5, s19;
	s24 =	sadd.s32 s6, s19;
	s0 =	simm.s32 $0x200  }
0x1d: {  	v0 =	vimm.f32 $0.0e+00;
	s10 =	simm.s32 $0x6;
	s26 =	sadd.s32 s21, s6;
	s28 =	sadd.s32 s21, s5  }
.LBB2_1:
0x1e: {  	s17 =	simm.s32 $0x40;
	s18 =	simm.s32 $0x0  }
.LBB2_2:
0x1f: {  	p0 =	sne.s32 s17, $0x7FC0;
	[tilespmem:s18+$0x400] =	vst v0;
	s18 =	smov.u32 s17;
	s17 =	sadd.s32 $0x40, s17  }
.Ltmp0:
0x20: {  	(pc) =	sbr.rel @p0 .LBB2_2-.Ltmp0, $2  }
0x21: {  	_ =	sdelay $0x2  }
0x22: {  	s18 =	sshra.s32 s18, $0x2  }
0x23: {  	[tilespmem:s18+$0x400] =	vst v0  }
0x24: {  	[spmem:s7] =	stream.linear.scatter [tilespmem:s30], [sflag:$0x7], $0x2000, $0x38;
	[tilespmem:$0x1CF00] =	vst v63  }
0x25: {  	_ =	swait.ge [sflag:s31], $0x2000  }
0x26: {  	[sflag:s31] =	ssyncset.done $0x0  }
0x27: {  	s17 =	rddreg [dreg:$0x4];
	[sflag:s31] =	ssyncadd.s32 $0xFFFFE000  }
0x28: {  	[spmem:s17] =	stream.linear.scatter [tilespmem:s30], [sflag:$0x7], $0x2000, $0x38;
	[tilespmem:$0x1CF00] =	vst v63  }
0x29: {  	_ =	swait.ge [sflag:s31], $0x2000  }
0x2a: {  	[sflag:s31] =	ssyncset.done $0x0  }
0x2b: {  	s20 =	rddreg [dreg:$0x5];
	[sflag:s31] =	ssyncadd.s32 $0xFFFFE000  }
0x2c: {  	[spmem:s20] =	stream.linear.scatter [tilespmem:s30], [sflag:$0x7], $0x2000, $0x38;
	[tilespmem:$0x1CF00] =	vst v63  }
0x2d: {  	_ =	swait.ge [sflag:s31], $0x2000  }
0x2e: {  	[sflag:s31] =	ssyncset.done $0x0  }
0x2f: {  	s21 =	rddreg [dreg:$0x6];
	[sflag:s31] =	ssyncadd.s32 $0xFFFFE000  }
0x30: {  	[spmem:s21] =	stream.linear.scatter [tilespmem:s30], [sflag:$0x7], $0x2000, $0x38;
	[tilespmem:$0x1CF00] =	vst v63  }
0x31: {  	_ =	swait.ge [sflag:s31], $0x2000  }
0x32: {  	[sflag:s31] =	ssyncset.done $0x0  }
0x33: {  	s18 =	rddreg [dreg:$0x7];
	[sflag:s31] =	ssyncadd.s32 $0xFFFFE000  }
0x34: {  	[spmem:s18] =	stream.linear.scatter [tilespmem:s30], [sflag:$0x7], $0x2000, $0x38;
	[tilespmem:$0x1CF00] =	vst v63  }
0x35: {  	_ =	swait.ge [sflag:s31], $0x2000  }
0x36: {  	[sflag:s31] =	ssyncset.done $0x0  }
0x37: {  	s19 =	rddreg [dreg:$0x8];
	[sflag:s31] =	ssyncadd.s32 $0xFFFFE000  }
0x38: {  	[spmem:s19] =	stream.linear.scatter [tilespmem:s30], [sflag:$0x7], $0x2000, $0x38;
	[tilespmem:$0x1CF00] =	vst v63  }
0x39: {  	_ =	swait.ge [sflag:s31], $0x2000  }
0x3a: {  	[sflag:s31] =	ssyncset.done $0x0  }
0x3b: {  	s20 =	rddreg [dreg:$0x9];
	[sflag:s31] =	ssyncadd.s32 $0xFFFFE000  }
0x3c: {  	[spmem:s20] =	stream.linear.scatter [tilespmem:s30], [sflag:$0x7], $0x2000, $0x38;
	[tilespmem:$0x1CF00] =	vst v63  }
0x3d: {  	_ =	swait.ge [sflag:s31], $0x2000  }
0x3e: {  	[sflag:s31] =	ssyncset.done $0x0  }
0x3f: {  	s21 =	rddreg [dreg:$0xa];
	[sflag:s31] =	ssyncadd.s32 $0xFFFFE000  }
0x40: {  	[spmem:s21] =	stream.linear.scatter [tilespmem:s30], [sflag:$0x7], $0x2000, $0x38;
	[tilespmem:$0x1CF00] =	vst v63  }
0x41: {  	_ =	swait.ge [sflag:s31], $0x2000  }
0x42: {  	[sflag:s31] =	ssyncset.done $0x0  }
0x43: {  	s18 =	rddreg [dreg:$0xb];
	[sflag:s31] =	ssyncadd.s32 $0xFFFFE000  }
0x44: {  	[spmem:s18] =	stream.linear.scatter [tilespmem:s30], [sflag:$0x7], $0x2000, $0x38;
	[tilespmem:$0x1CF00] =	vst v63  }
0x45: {  	_ =	swait.ge [sflag:s31], $0x2000  }
0x46: {  	[sflag:s31] =	ssyncset.done $0x0  }
0x47: {  	s19 =	rddreg [dreg:$0xc];
	[sflag:s31] =	ssyncadd.s32 $0xFFFFE000  }
0x48: {  	[spmem:s19] =	stream.linear.scatter [tilespmem:s30], [sflag:$0x7], $0x2000, $0x38;
	[tilespmem:$0x1CF00] =	vst v63  }
0x49: {  	_ =	swait.ge [sflag:s31], $0x2000  }
0x4a: {  	[sflag:s31] =	ssyncset.done $0x0  }
0x4b: {  	s20 =	rddreg [dreg:$0xd];
	[sflag:s31] =	ssyncadd.s32 $0xFFFFE000  }
0x4c: {  	[spmem:s20] =	stream.linear.scatter [tilespmem:s30], [sflag:$0x7], $0x2000, $0x38;
	[tilespmem:$0x1CF00] =	vst v63  }
0x4d: {  	_ =	swait.ge [sflag:s31], $0x2000  }
0x4e: {  	[sflag:s31] =	ssyncset.done $0x0  }
0x4f: {  	s21 =	rddreg [dreg:$0xe];
	[sflag:s31] =	ssyncadd.s32 $0xFFFFE000  }
0x50: {  	[spmem:s21] =	stream.linear.scatter [tilespmem:s30], [sflag:$0x7], $0x2000, $0x38;
	[tilespmem:$0x1CF00] =	vst v63  }
0x51: {  	_ =	swait.ge [sflag:s31], $0x2000  }
0x52: {  	[sflag:s31] =	ssyncset.done $0x0  }
0x53: {  	s18 =	rddreg [dreg:$0xf];
	[sflag:s31] =	ssyncadd.s32 $0xFFFFE000  }
0x54: {  	[spmem:s18] =	stream.linear.scatter [tilespmem:s30], [sflag:$0x7], $0x700, $0x38;
	[tilespmem:$0x1CF00] =	vst v63  }
0x55: {  	_ =	swait.ge [sflag:s31], $0x700  }
0x56: {  	[sflag:s31] =	ssyncset.done $0x0  }
0x57: {  	[sflag:s31] =	ssyncadd.s32 $0xFFFFF900  }
0x58: {  	[bflag:$0x0] =	sbarrier.arrive $0xFFFF  }
0x59: {  	s19 =	simm.s32 $0x0;
	s20 =	rddreg [dreg:$0x10]  }
0x5a: {  	[tilespmem:s19], [sflag:$0x5] =	stream.linear.gather [hbm4b:s20+s19], $0x200, $0x38;
	[tilespmem:$0x1CF00] =	vst v63  }
0x5b: {  	_ = 	snop  }
0x5c: {  	[tilespmem:s0], [sflag:$0x5] =	stream.linear.gather [hbm4b:s22+s19], $0x200, $0x38;
	[tilespmem:$0x1CF00] =	vst v63  }
0x5d: {  	_ =	swait.ge [sflag:s4], $0x200  }
0x5e: {  	[sflag:s4] =	ssyncset.done $0x0  }
0x5f: {  	[sflag:s4] =	ssyncadd.s32 $0xFFFFFE00  }
0x60: {  	_ =	swait.ge [sflag:s4], $0x200  }
0x61: {  	[sflag:s4] =	ssyncset.done $0x0  }
0x62: {  	[sflag:s4] =	ssyncadd.s32 $0xFFFFFE00  }
0x63: {  	[tilespmem:s30], [sflag:$0x1] =	stream.indirect.gather [hbm4b:s1+s0], $0x10, s19, s0, $0xb8;
	[tilespmem:$0x1CF00] =	vst v63  }
0x64: {  	_ = 	snop  }
0x65: {  	[tilespmem:s8], [sflag:$0x6] =	stream.linear.gather [hbm4b:s23+s19], $0x200, $0x38;
	[tilespmem:$0x1CF00] =	vst v63  }
0x66: {  	_ = 	snop  }
0x67: {  	[tilespmem:s9], [sflag:$0x6] =	stream.linear.gather [hbm4b:s24+s19], $0x200, $0x38;
	[tilespmem:$0x1CF00] =	vst v63  }
0x68: {  	_ =	swait.ge [sflag:s10], $0x200  }
0x69: {  	[sflag:s10] =	ssyncset.done $0x0  }
0x6a: {  	[sflag:s10] =	ssyncadd.s32 $0xFFFFFE00  }
0x6b: {  	_ =	swait.ge [sflag:s10], $0x200  }
0x6c: {  	[sflag:s10] =	ssyncset.done $0x0  }
0x6d: {  	[sflag:s10] =	ssyncadd.s32 $0xFFFFFE00  }
0x6e: {  	[tilespmem:s11], [sflag:$0x2] =	stream.indirect.gather [hbm4b:s1+s0], $0x10, s8, s0, $0xb8;
	[tilespmem:$0x1CF00] =	vst v63  }
0x6f: {  	_ =	swait.ge [sflag:s12], $0x2000  }
0x70: {  	[sflag:s12] =	ssyncset.done $0x0  }
0x71: {  	[sflag:s12] =	ssyncadd.s32 $0xFFFFE000  }
0x72: {  	[spmem:s2] =	stream.indirect.scatter.add.f32 [tilespmem:s30], [sflag:$0x3], $0x10, s0, s0, $0xb8;
	[tilespmem:$0x1CF00] =	vst v63  }
0x73: {  	_ =	swait.ge [sflag:s13], $0x2000  }
0x74: {  	s21 =	sshrl.u32 s29, $0x3;
	[sflag:s13] =	ssyncset.done $0x0  }
0x75: {  	s19 =	sadd.s32 s5, s21;
	[sflag:s13] =	ssyncadd.s32 $0xFFFFE000  }
0x76: {  	[tilespmem:s3], [sflag:$0x5] =	stream.linear.gather [hbm4b:s19+s3], $0x200, $0x38;
	[tilespmem:$0x1CF00] =	vst v63  }
0x77: {  	s17 =	sadd.s32 s6, s21  }
0x78: {  	[tilespmem:s0], [sflag:$0x5] =	stream.linear.gather [hbm4b:s17+s3], $0x200, $0x38;
	[tilespmem:$0x1CF00] =	vst v63  }
0x79: {  	_ =	swait.ge [sflag:s14], $0x2000  }
0x7a: {  	[sflag:s14] =	ssyncset.done $0x0  }
0x7b: {  	[sflag:s14] =	ssyncadd.s32 $0xFFFFE000  }
0x7c: {  	[spmem:s2] =	stream.indirect.scatter.add.f32 [tilespmem:s11], [sflag:$0x4], $0x10, s9, s0, $0xb8;
	[tilespmem:$0x1CF00] =	vst v63  }
0x7d: {  	_ =	swait.ge [sflag:s15], $0x2000  }
0x7e: {  	[sflag:s15] =	ssyncset.done $0x0  }
0x7f: {  	s20 =	sadd.s32 $0x0, s28;
	[sflag:s15] =	ssyncadd.s32 $0xFFFFE000  }
0x80: {  	[tilespmem:s8], [sflag:$0x6] =	stream.linear.gather [hbm4b:s20+s3], $0x200, $0x38;
	[tilespmem:$0x1CF00] =	vst v63  }
0x81: {  	s21 =	sadd.s32 $0x0, s26  }
0x82: {  	[tilespmem:s9], [sflag:$0x6] =	stream.linear.gather [hbm4b:s21+s3], $0x200, $0x38;
	[tilespmem:$0x1CF00] =	vst v63  }
0x83: {  	_ =	swait.ge [sflag:s4], $0x200  }
0x84: {  	[sflag:s4] =	ssyncset.done $0x0  }
0x85: {  	[sflag:s4] =	ssyncadd.s32 $0xFFFFFE00  }
0x86: {  	_ =	swait.ge [sflag:s4], $0x200  }
0x87: {  	[sflag:s4] =	ssyncset.done $0x0  }
0x88: {  	s18 =	sadd.s32 $0x400, s29;
	s17 =	simm.s32 $0x80;
	[sflag:s4] =	ssyncadd.s32 $0xFFFFFE00  }
.LBB2_4:
0x89: {  	[tilespmem:s30], [sflag:$0x1] =	stream.indirect.gather [hbm4b:s1+s0], $0x10, s3, s0, $0xb8;
	[tilespmem:$0x1CF00] =	vst v63  }
0x8a: {  	s19 =	smov.u32 s17  }
0x8b: {  	p0 =	sne.s32 s17, $0x3080;
	s17 =	sadd.s32 $0x80, s17;
	_ =	swait.ge [sflag:s10], $0x200  }
0x8c: {  	[sflag:s10] =	ssyncset.done $0x0  }
0x8d: {  	[sflag:s10] =	ssyncadd.s32 $0xFFFFFE00  }
0x8e: {  	_ =	swait.ge [sflag:s10], $0x200  }
0x8f: {  	[sflag:s10] =	ssyncset.done $0x0  }
0x90: {  	[sflag:s10] =	ssyncadd.s32 $0xFFFFFE00  }
0x91: {  	[tilespmem:s11], [sflag:$0x2] =	stream.indirect.gather [hbm4b:s1+s0], $0x10, s8, s0, $0xb8;
	[tilespmem:$0x1CF00] =	vst v63  }
0x92: {  	_ =	swait.ge [sflag:s12], $0x2000  }
0x93: {  	[sflag:s12] =	ssyncset.done $0x0  }
0x94: {  	[sflag:s12] =	ssyncadd.s32 $0xFFFFE000  }
0x95: {  	[spmem:s2] =	stream.indirect.scatter.add.f32 [tilespmem:s30], [sflag:$0x3], $0x10, s0, s0, $0xb8;
	[tilespmem:$0x1CF00] =	vst v63  }
0x96: {  	_ =	swait.ge [sflag:s13], $0x2000  }
0x97: {  	s20 =	sshrl.u32 s18, $0x3;
	[sflag:s13] =	ssyncset.done $0x0  }
0x98: {  	s21 =	sadd.s32 s5, s20;
	[sflag:s13] =	ssyncadd.s32 $0xFFFFE000  }
0x99: {  	[tilespmem:s3], [sflag:$0x5] =	stream.linear.gather [hbm4b:s21+s3], $0x200, $0x38;
	[tilespmem:$0x1CF00] =	vst v63  }
0x9a: {  	s20 =	sadd.s32 s6, s20  }
0x9b: {  	[tilespmem:s0], [sflag:$0x5] =	stream.linear.gather [hbm4b:s20+s3], $0x200, $0x38;
	[tilespmem:$0x1CF00] =	vst v63  }
0x9c: {  	_ =	swait.ge [sflag:s14], $0x2000  }
0x9d: {  	[sflag:s14] =	ssyncset.done $0x0  }
0x9e: {  	[sflag:s14] =	ssyncadd.s32 $0xFFFFE000  }
0x9f: {  	[spmem:s2] =	stream.indirect.scatter.add.f32 [tilespmem:s11], [sflag:$0x4], $0x10, s9, s0, $0xb8;
	[tilespmem:$0x1CF00] =	vst v63  }
0xa0: {  	_ =	swait.ge [sflag:s15], $0x2000  }
0xa1: {  	[sflag:s15] =	ssyncset.done $0x0  }
0xa2: {  	s20 =	sadd.s32 s19, s28;
	[sflag:s15] =	ssyncadd.s32 $0xFFFFE000  }
0xa3: {  	[tilespmem:s8], [sflag:$0x6] =	stream.linear.gather [hbm4b:s20+s3], $0x200, $0x38;
	[tilespmem:$0x1CF00] =	vst v63  }
0xa4: {  	s19 =	sadd.s32 s19, s26  }
0xa5: {  	[tilespmem:s9], [sflag:$0x6] =	stream.linear.gather [hbm4b:s19+s3], $0x200, $0x38;
	[tilespmem:$0x1CF00] =	vst v63  }
0xa6: {  	_ =	swait.ge [sflag:s4], $0x200  }
.Ltmp1:
0xa7: {  	[sflag:s4] =	ssyncset.done $0x0;
	(pc) =	sbr.rel @p0 .LBB2_4-.Ltmp1, $4  }
0xa8: {  	[sflag:s4] =	ssyncadd.s32 $0xFFFFFE00  }
0xa9: {  	_ =	swait.ge [sflag:s4], $0x200  }
0xaa: {  	[sflag:s4] =	ssyncset.done $0x0  }
0xab: {  	s18 =	sadd.s32 $0x400, s18;
	[sflag:s4] =	ssyncadd.s32 $0xFFFFFE00  }
0xac: {  	[tilespmem:s30], [sflag:$0x1] =	stream.indirect.gather [hbm4b:s1+s0], $0x10, s3, s0, $0xb8;
	[tilespmem:$0x1CF00] =	vst v63  }
0xad: {  	_ =	swait.ge [sflag:s12], $0x2000  }
0xae: {  	[sflag:s12] =	ssyncset.done $0x0  }
0xaf: {  	[sflag:s12] =	ssyncadd.s32 $0xFFFFE000  }
0xb0: {  	_ =	swait.ge [sflag:s10], $0x200  }
0xb1: {  	[sflag:s10] =	ssyncset.done $0x0  }
0xb2: {  	[sflag:s10] =	ssyncadd.s32 $0xFFFFFE00  }
0xb3: {  	_ =	swait.ge [sflag:s10], $0x200  }
0xb4: {  	s17 =	stileid.u32;
	[sflag:s10] =	ssyncset.done $0x0  }
0xb5: {  	s18 =	sshrl.u32 s7, $0x3;
	s16 =	sadd.s32 $0x1, s16;
	[sflag:s10] =	ssyncadd.s32 $0xFFFFFE00  }
0xb6: {  	s17 =	sshll.u32 s17, $0x6;
	p0 =	sne.s32 s16, s25;
	[bflag:$0x0] =	sbarrier.arrive $0xFFFF  }
.Ltmp2:
0xb7: {  	s17 =	sor.u32 $0x1C07, s17;
	s19 =	rddreg [dreg:$0x11];
	(pc) =	sbr.rel @p0 .LBB2_1-.Ltmp2, $4  }
0xb8: {  	[hbm:s19], [sflag:s17] =	dma.local [spmem:s18], $0x30E0  }
0xb9: {  	_ =	swait.ge [sflag:s31], $0x30E0  }
0xba: {  	[sflag:s31] =	ssyncset.done $0x0  }
0xbb: {  	[sflag:s31] =	ssyncadd.s32 $0xFFFFCF20  }
0xbc: {  	_ =	sfence.sel $0x180000  }
0xbd: {  	[bflag:$0x0] =	sbarrier.arrive $0xFFFF  }
0xbe: {  	_ =	strace $0x90000047  }
0xbf: {  	s0 =	stileid.u32;
	[bflag:$0x2] =	sbarrier.arrive $0xFFFF  }
0xc0: {  	p0 =	sne.s32 s0, $0x0;
	s0 =	rddreg [dreg:$0x3]  }
0xc1: {  	s0 =	sadd.s32 @!p0 $0x100000, s0  }
0xc2: {  	[sflag:s0] =	ssyncadd.tile.s32 @!p0 $0x1;
	_ =	shalt  }
.Lfunc_end2:
_tile_overlayer_lowered:
.L_overlay_start_2:
0xc3: {  	(tag) =	ssettag $0x2  }
0xc4: {  	s0 =	rddreg [dreg:$0x0];
	s2 =	stileid.u32  }
0xc5: {  	s1 =	rddreg [dreg:$0x1];
	p0 =	sne.s32 s2, $0x0  }
0xc6: {  	s3 =	rddreg [dreg:$0x2];
	[bflag:$0x3] =	sbarrier.arrive $0xFFFF;
	s2 =	simm.s32 @!p0 $0x1C07  }
0xc7: {  	[timem:s3], [sflag:s2] =	dma.local @!p0 [hbm:s0], s1  }
0xc8: {  	s0 =	simm.s32 @!p0 $0x7  }
0xc9: {  	_ =	swait.ge @!p0 [sflag:s0], s1  }
0xca: {  	s1 =	ssub.s32 @!p0 $0x0, s1;
	[sflag:s0] =	ssyncset.done @!p0 $0x0  }
0xcb: {  	[sflag:s0] =	ssyncadd.s32 @!p0 s1  }
0xcc: {  	[bflag:$0x3] =	sbarrier.arrive $0xFFFF  }
0xcd: {  	_ =	shalt  }

// kernel: kernel.9.cloned.1.call-start
scs
__scs_entry_jumppad:
0x0: {  	(pc) =	sbr.rel $0x88, $3  }
0x1: {  	(tag) =	ssettag $0x0;
	lr =	simm.s32 $0x1  }
0x2: {  	[smem:$0x3F99] =	sst lr;
	_ =	strace $0xD0000000  }
0x3: {  	_ = 	snop  }
0x4: {  	_ = 	snop  }
0x5: {  	_ = 	snop  }
0x6: {  	_ = 	snop  }
0x7: {  	_ = 	snop  }
__scs_overlays_trampoline_lowered:
0x8: {  	[smem:$0x3FA8] =	sst s0  }
0x9: {  	[smem:$0x3FA9] =	sst s1  }
0xa: {  	[smem:$0x3FAA] =	sst s2  }
0xb: {  	[smem:$0x3FAB] =	sst s3  }
0xc: {  	[smem:$0x3FAC] =	sst s4  }
0xd: {  	[smem:$0x3FAD] =	sst s5  }
0xe: {  	[smem:$0x3FAE] =	sst s6  }
0xf: {  	[smem:$0x3FAF] =	sst s7  }
0x10: {  	[smem:$0x3FB0] =	sst s8  }
0x11: {  	[smem:$0x3FB1] =	sst s9;
	s0 =	simm.s32 @!p0 $0x0  }
0x12: {  	s1 =	sld [smem:$0x3F97];
	s0 =	simm.s32 @p0 $0x1  }
0x13: {  	[smem:$0x3FB2] =	sst s0;
	s0 =	simm.s32 @!p1 $0x0  }
0x14: {  	s2 =	sld [smem:$0x3F96];
	s0 =	simm.s32 @p1 $0x1  }
0x15: {  	[smem:$0x3FB3] =	sst s0;
	s0 =	simm.s32 @!p2 $0x0  }
0x16: {  	s3 =	sld [smem:$0x3FDB];
	s0 =	simm.s32 @p2 $0x1  }
0x17: {  	s4 =	simm.s32 $0x1BF5;
	[smem:$0x3FB5] =	sst s0  }
0x18: {  	s0 =	sld [smem:$0x3F98];
	_ =	swait.ge [sflag:s4], $0x0  }
0x19: {  	s7 =	sld [smem:$0x3F99]  }
0x1a: {  	s8 =	sadd.s32 $0xFFFFE003, lr  }
0x1b: {  	s9 =	sadd.s32 $0xFFFFFEF7, lr;
	s5 =	simm.s32 $0xFFFFFFFF;
	p2 =	slt.u32 s8, $0xFFFFF086  }
0x1c: {  	p1 =	slt.u32 s9, $0xF7A;
	s5 =	simm.s32 @!p2 $0x0  }
0x1d: {  	s5 =	simm.s32 @p1 $0x1;
	p0 =	seq.s32 s7, s2  }
0x1e: {  	s7 =	smul.u32 @!p0 $0xF7A, s2;
	p2 =	seq.s32 @!p0 s5, $0x0  }
0x1f: {  	s9 =	smul.u32 $0xF7A, s1;
	s8 =	simm.s32 @!p0 $0x1BF5;
	p2 =	por !p2, p0  }
0x20: {  	[sflag:s8] =	ssyncset.s32 @!p0 $0xFFFFF086;
	s6 =	sadd.s32 @!p0 s3, s7;
	s7 =	simm.s32 @!p0 $0x108  }
0x21: {  	s3 =	sadd.s32 s3, s9;
	s6 =	sadd.s32 @!p0 $0x88, s6;
	s7 =	simm.s32 @p2 $0x1082  }
0x22: {  	[simem:s7], [sflag:s8] =	dma.local @!p0 [hbm:s6], $0xF7A  }
0x23: {  	s9 =	sor.u32 $0xD0000000, s2;
	s6 =	simm.s32 $0x108;
	_ =	swait.ge @!p0 [sflag:s8], $0x0  }
0x24: {  	s3 =	sadd.s32 $0x88, s3;
	s6 =	simm.s32 @!p1 $0x1082;
	[sflag:s4] =	ssyncset.s32 $0xFFFFF086  }
0x25: {  	[simem:s6], [sflag:s4] =	dma.local [hbm:s3], $0xF7A  }
0x26: {  	[smem:$0x3F99] =	sst s1;
	(tag) =	ssettag s2;
	_ =	strace s9  }
0x27: {  	s1 =	sld [smem:$0x3FA9]  }
0x28: {  	s2 =	sld [smem:$0x3FAA]  }
0x29: {  	s4 =	sld [smem:$0x3FAC]  }
0x2a: {  	p0 =	seq.s32 s5, $0x0;
	s5 =	sld [smem:$0x3FAD]  }
0x2b: {  	s6 =	sld [smem:$0x3FAE]  }
0x2c: {  	s7 =	sld [smem:$0x3FAF]  }
0x2d: {  	s3 =	simm.s32 $0x108;
	s8 =	sld [smem:$0x3FB0]  }
0x2e: {  	s3 =	simm.s32 @!p0 $0x1082;
	s9 =	sld [smem:$0x3FB1]  }
0x2f: {  	lr =	sadd.s32 s0, s3;
	s0 =	sld [smem:$0x3FA8]  }
0x30: {  	s3 =	sld [smem:$0x3FAB]  }
0x31: {  	[smem:$0x3FB4] =	sst s10  }
0x32: {  	s10 =	sld [smem:$0x3FB2];
	_ =	sdelay $0x3  }
0x33: {  	p0 =	seq.s32 s10, $0x1;
	s10 =	sld [smem:$0x3FB4];
	_ =	sdelay $0x3  }
0x34: {  	[smem:$0x3FB4] =	sst s10  }
0x35: {  	s10 =	sld [smem:$0x3FB3];
	_ =	sdelay $0x3  }
0x36: {  	p1 =	seq.s32 s10, $0x1;
	s10 =	sld [smem:$0x3FB4];
	_ =	sdelay $0x3  }
0x37: {  	[smem:$0x3FB4] =	sst s10  }
0x38: {  	s10 =	sld [smem:$0x3FB5]  }
0x39: {  	_ = 	snop;
	(pc) =	sbr.ind lr, $3  }
0x3a: {  	_ = 	snop  }
0x3b: {  	_ = 	snop  }
0x3c: {  	p2 =	seq.s32 s10, $0x1;
	s10 =	sld [smem:$0x3FB4]  }
0x3d: {  	_ =	shalt  }
0x3e: {  	_ =	shalt  }
0x3f: {  	_ =	shalt  }
0x40: {  	_ =	shalt  }
0x41: {  	_ =	shalt  }
0x42: {  	_ =	shalt  }
0x43: {  	_ =	shalt  }
0x44: {  	_ =	shalt  }
0x45: {  	_ =	shalt  }
0x46: {  	_ =	shalt  }
0x47: {  	_ =	shalt  }
0x48: {  	_ =	shalt  }
0x49: {  	_ =	shalt  }
0x4a: {  	_ =	shalt  }
0x4b: {  	_ =	shalt  }
0x4c: {  	_ =	shalt  }
0x4d: {  	_ =	shalt  }
0x4e: {  	_ =	shalt  }
0x4f: {  	_ =	shalt  }
0x50: {  	_ =	shalt  }
0x51: {  	_ =	shalt  }
0x52: {  	_ =	shalt  }
0x53: {  	_ =	shalt  }
0x54: {  	_ =	shalt  }
0x55: {  	_ =	shalt  }
0x56: {  	_ =	shalt  }
0x57: {  	_ =	shalt  }
0x58: {  	_ =	shalt  }
0x59: {  	_ =	shalt  }
0x5a: {  	_ =	shalt  }
0x5b: {  	_ =	shalt  }
0x5c: {  	_ =	shalt  }
0x5d: {  	_ =	shalt  }
0x5e: {  	_ =	shalt  }
0x5f: {  	_ =	shalt  }
0x60: {  	_ =	shalt  }
0x61: {  	_ =	shalt  }
0x62: {  	_ =	shalt  }
0x63: {  	_ =	shalt  }
0x64: {  	_ =	shalt  }
0x65: {  	_ =	shalt  }
0x66: {  	_ =	shalt  }
0x67: {  	_ =	shalt  }
0x68: {  	_ =	shalt  }
0x69: {  	_ =	shalt  }
0x6a: {  	_ =	shalt  }
0x6b: {  	_ =	shalt  }
0x6c: {  	_ =	shalt  }
0x6d: {  	_ =	shalt  }
0x6e: {  	_ =	shalt  }
0x6f: {  	_ =	shalt  }
0x70: {  	_ =	shalt  }
0x71: {  	_ =	shalt  }
0x72: {  	_ =	shalt  }
0x73: {  	_ =	shalt  }
0x74: {  	_ =	shalt  }
0x75: {  	_ =	shalt  }
0x76: {  	_ =	shalt  }
0x77: {  	_ =	shalt  }
0x78: {  	_ =	shalt  }
0x79: {  	_ =	shalt  }
0x7a: {  	_ =	shalt  }
0x7b: {  	_ =	shalt  }
0x7c: {  	_ =	shalt  }
0x7d: {  	_ =	shalt  }
0x7e: {  	_ =	shalt  }
0x7f: {  	_ =	shalt  }
0x80: {  	_ =	shalt  }
0x81: {  	_ =	shalt  }
0x82: {  	_ =	shalt  }
0x83: {  	_ =	shalt  }
0x84: {  	_ =	shalt  }
0x85: {  	_ =	shalt  }
0x86: {  	_ =	shalt  }
0x87: {  	_ =	shalt  }
.Lfunc_end0:
.L_simem_size_0:
called_computation.1_lowered:
.L_overlay_start_0:
0x88: {  	s2 =	sld [smem:$0x3FD9]  }
0x89: {  	s3 =	sld [smem:$0x3FFE];
	_ =	sdelay $0x1  }
0x8a: {  	s1 =	srdreg.scid  }
0x8b: {  	s0 =	sand.u32 $0x1, s1  }
0x8c: {  	s17 =	sshll.u32 s0, $0xA;
	s2 =	sadd.s32 s3, s2  }
0x8d: {  	s2 =	sadd.s32 s2, s17  }
0x8e: {  	[smem:$0x3FC0] =	sst s2  }
0x8f: {  	_ = 	snop  }
0x90: {  	s2 =	sld [smem:$0x3FD0];
	(tm) =	ssettm $0x1  }
0x91: {  	s18 =	sld [smem:$0x3FFB];
	_ =	sdelay $0x3  }
0x92: {  	_ =	strace s18  }
0x93: {  	s3 =	sld [smem:$0x3FFC];
	_ =	sdelay $0x3  }
0x94: {  	_ =	strace s3  }
0x95: {  	s3 =	sld [smem:$0x3FFD];
	_ =	sdelay $0x3  }
0x96: {  	_ =	strace s3  }
0x97: {  	_ =	strace $0x8FFFFFFF  }
0x98: {  	s19 =	sld [smem:$0x3FDB];
	_ =	sdelay $0x1  }
0x99: {  	s4 =	simm.s32 $_scs_section_size  }
0x9a: {  	s5 =	simm.s32 $_size__tile_overlayer_lowered;
	s6 =	simm.s32 $_tile_overlayer_lowered  }
0x9b: {  	s22 =	simm.s32 $0x1BFF;
	s21 =	sshll.u32 s6, $0x1;
	s3 =	sadd.s32 s4, s19  }
0x9c: {  	s7 =	simm.s32 $0x0;
	s20 =	sshll.u32 s5, $0x1;
	s5 =	sadd.s32 s21, s3  }
0x9d: {  	[timem:s7], [sflag:s22] =	dma.local [hbm:s5], s20  }
0x9e: {  	_ =	swait.ge [sflag:s22], s20  }
0x9f: {  	s4 =	ssub.s32 $0x0, s20;
	[sflag:s22] =	ssyncset.done $0x0  }
0xa0: {  	[sflag:s22] =	ssyncadd.s32 s4;
	_ =	sdelay $0x1  }
0xa1: {  	s23 =	simm.s32 $0x1B8B  }
0xa2: {  	_ =	swait.ge [sflag:s23], $0x1  }
0xa3: {  	[sflag:s23] =	ssyncset.done $0x0  }
0xa4: {  	s25 =	simm.s32 $0x1B8E;
	s24 =	sld [smem:$0x3FFE];
	[sflag:s23] =	ssyncadd.s32 $0xFFFFFFFF  }
0xa5: {  	s26 =	simm.s32 $execute0_lowered;
	[smem:$0x3FD2] =	sst s25  }
0xa6: {  	s5 =	sshll.u32 s26, $0x1;
	_ =	strace $0x80000049;
	[dreg:$0x1] =	wrdreg $0xFFFFFFFF  }
0xa7: {  	s28 =	simm.s32 $_size_execute0_lowered;
	s3 =	sadd.s32 s3, s5;
	[dreg:$0x0] =	wrdreg $0x0  }
0xa8: {  	s5 =	sshll.u32 s28, $0x1;
	[dreg:$0x2] =	wrdreg s3  }
0xa9: {  	[dreg:$0x3] =	wrdreg s5  }
0xaa: {  	[dreg:$0x4] =	wrdreg $0xC0  }
0xab: {  	_ =	task [dreg:s7], $0x5FFFF  }
0xac: {  	[dreg:$0x1] =	wrdreg $0xFFFFFFFF  }
0xad: {  	[dreg:$0x0] =	wrdreg $0x60  }
0xae: {  	[dreg:$0x2] =	wrdreg s2  }
0xaf: {  	[dreg:$0x3] =	wrdreg s24  }
0xb0: {  	[dreg:$0x4] =	wrdreg $0x48000  }
0xb1: {  	[dreg:$0x5] =	wrdreg $0x9  }
0xb2: {  	_ =	task.clear_ibuf [dreg:s7], $0x6FFFF;
	_ =	strace $0x90000049  }
0xb3: {  	s29 =	simm.s32 $0x9;
	_ =	strace $0x8000004B  }
0xb4: {  	_ =	swait.ge [sflag:s29], $0x1  }
0xb5: {  	[sflag:s29] =	ssyncadd.s32 $0xFFFFFFFF  }
0xb6: {  	_ =	strace $0x9000004B  }
0xb7: {  	_ =	sfence  }
0xb8: {  	s30 =	sld [smem:$0x0];
	_ =	sdelay $0x2  }
0xb9: {  	s31 =	sshll.u32 s1, $0xD;
	s1 =	sshrl.u32 s1, $0x2  }
0xba: {  	s3 =	sand.u32 $0x4000, s31;
	s1 =	sadd.s32 s1, s30  }
0xbb: {  	s0 =	sor.u32 s3, s0;
	s1 =	sshll.u32 s1, $0x11  }
0xbc: {  	s0 =	sor.u32 s1, s0  }
0xbd: {  	s0 =	sadd.s32 $0x8F2B, s0  }
0xbe: {  	[sflag:s0] =	ssyncadd.remote.s32 $0x1  }
0xbf: {  	_ =	sfence.sel $0xFFFF  }
0xc0: {  	[dreg:$0x0] =	wrdreg $0xFFFFFFFF;
	(pc) =	sbr.abs _section_cstart, $3  }
0xc1: {  	[dreg:$0x1] =	wrdreg $0xFFFFFFFF  }
0xc2: {  	_ =	task.clear_ibuf [dreg:s7], $0x2FFFF;
	_ =	strace $0x9FFFFFFF  }
0xc3: {  	(tm) =	ssettm $0x7FFFFFFF  }
tec
execute0_lowered:
.L_overlay_start_1:
0x0: {  	(tag) =	ssettag $0x1  }
0x1: {  	s1 =	rddreg [dreg:$0x0]  }
0x2: {  	s0 =	rddreg [dreg:$0x1]  }
0x3: {  	s2 =	rddreg [dreg:$0x2]  }
0x4: {  	s3 =	simm.s32 $0x0;
	s4 =	srdreg.scid;
	s12 =	stileid.u32  }
0x5: {  	s30 =	simm.s32 $0x400;
	s31 =	simm.s32 $0x7;
	[smem:$0x7FF] =	sst s3  }
0x6: {  	s4 =	sand.u32 $0x1, s4;
	s5 =	sadd.s32 $0x64200, s0;
	s9 =	smul.u32 $0x61C00, s12  }
0x7: {  	s6 =	sadd.s32 $0xC7200, s0;
	s10 =	sshll.u32 s12, $0x1;
	s11 =	smul.u32 $0x18700, s12  }
0x8: {  	s12 =	smul.u32 $0x31800, s12;
	_ =	strace $0x8000004A;
	s9 =	sshrl.u32 s9, $0x2  }
0x9: {  	s7 =	smul.u32 $0x30E00, s4;
	s8 =	ssub.s32 $0x2, s4;
	s9 =	sadd.s32 s9, s2  }
0xa: {  	s10 =	sor.u32 s4, s10;
	s4 =	smul.u32 $0x18C00, s4;
	s13 =	sadd.s32 $0x2000, s9  }
0xb: {  	s19 =	sshrl.u32 s8, $0x1;
	s20 =	sadd.s32 $0x4000, s9;
	[dreg:$0x4] =	wrdreg s13  }
0xc: {  	s10 =	smul.u32 $0x18C00, s10;
	s21 =	sadd.s32 $0x6000, s9;
	[dreg:$0x5] =	wrdreg s20  }
0xd: {  	s18 =	sshrl.u32 s11, $0x3;
	s22 =	sadd.s32 $0x8000, s9;
	[dreg:$0x6] =	wrdreg s21  }
0xe: {  	s0 =	sadd.s32 s7, s0;
	s23 =	sadd.s32 $0xA000, s9;
	[dreg:$0x7] =	wrdreg s22  }
0xf: {  	s8 =	ssub.s32 s8, s19;
	s24 =	sadd.s32 $0xC000, s9;
	[dreg:$0x8] =	wrdreg s23  }
0x10: {  	s7 =	sadd.s32 s11, s2;
	s25 =	sadd.s32 $0xE000, s9;
	[dreg:$0x9] =	wrdreg s24  }
0x11: {  	s4 =	sadd.s32 s4, s12;
	s26 =	sadd.s32 $0x10000, s9;
	[dreg:$0xa] =	wrdreg s25  }
0x12: {  	s11 =	simm.s32 $0x2800;
	s14 =	sadd.s32 $0x12000, s9;
	[dreg:$0xb] =	wrdreg s26  }
0x13: {  	s12 =	simm.s32 $0x1;
	s15 =	sadd.s32 $0x14000, s9;
	[dreg:$0xc] =	wrdreg s14  }
0x14: {  	s16 =	sadd.s32 $0x16000, s9;
	s9 =	sadd.s32 $0x18000, s9;
	[dreg:$0xd] =	wrdreg s15  }
0x15: {  	s17 =	sshrl.u32 s10, $0x3;
	s0 =	sadd.s32 $0x18BE00, s0;
	[dreg:$0xe] =	wrdreg s16  }
0x16: {  	s29 =	sadd.s32 $0x400, s4;
	[dreg:$0xf] =	wrdreg s9;
	s10 =	sadd.s32 s5, s17  }
0x17: {  	s0 =	sadd.s32 s18, s0;
	s19 =	sor.u32 $0x40, s17;
	s20 =	sadd.s32 $0x600, s4  }
0x18: {  	s22 =	sadd.s32 s6, s17;
	s25 =	smax.u32 s8, $0x1;
	s4 =	simm.s32 $0x5  }
0x19: {  	s8 =	simm.s32 $0x2400;
	s9 =	simm.s32 $0x2600;
	s13 =	simm.s32 $0x3  }
0x1a: {  	s14 =	simm.s32 $0x2;
	s15 =	simm.s32 $0x4;
	[dreg:$0x10] =	wrdreg s10  }
0x1b: {  	s16 =	simm.s32 $0x0;
	[dreg:$0x11] =	wrdreg s0;
	s21 =	sshrl.u32 s20, $0x3  }
0x1c: {  	s23 =	sadd.s32 s5, s19;
	s24 =	sadd.s32 s6, s19;
	s0 =	simm.s32 $0x200  }
0x1d: {  	v0 =	vimm.f32 $0.0e+00;
	s10 =	simm.s32 $0x6;
	s26 =	sadd.s32 s21, s6;
	s28 =	sadd.s32 s21, s5  }
.LBB2_1:
0x1e: {  	s17 =	simm.s32 $0x40;
	s18 =	simm.s32 $0x0  }
.LBB2_2:
0x1f: {  	p0 =	sne.s32 s17, $0x7FC0;
	[tilespmem:s18+$0x400] =	vst v0;
	s18 =	smov.u32 s17;
	s17 =	sadd.s32 $0x40, s17  }
.Ltmp0:
0x20: {  	(pc) =	sbr.rel @p0 .LBB2_2-.Ltmp0, $2  }
0x21: {  	_ =	sdelay $0x2  }
0x22: {  	s18 =	sshra.s32 s18, $0x2  }
0x23: {  	[tilespmem:s18+$0x400] =	vst v0  }
0x24: {  	[spmem:s7] =	stream.linear.scatter [tilespmem:s30], [sflag:$0x7], $0x2000, $0x38;
	[tilespmem:$0x1CF00] =	vst v63  }
0x25: {  	_ =	swait.ge [sflag:s31], $0x2000  }
0x26: {  	[sflag:s31] =	ssyncset.done $0x0  }
0x27: {  	s17 =	rddreg [dreg:$0x4];
	[sflag:s31] =	ssyncadd.s32 $0xFFFFE000  }
0x28: {  	[spmem:s17] =	stream.linear.scatter [tilespmem:s30], [sflag:$0x7], $0x2000, $0x38;
	[tilespmem:$0x1CF00] =	vst v63  }
0x29: {  	_ =	swait.ge [sflag:s31], $0x2000  }
0x2a: {  	[sflag:s31] =	ssyncset.done $0x0  }
0x2b: {  	s20 =	rddreg [dreg:$0x5];
	[sflag:s31] =	ssyncadd.s32 $0xFFFFE000  }
0x2c: {  	[spmem:s20] =	stream.linear.scatter [tilespmem:s30], [sflag:$0x7], $0x2000, $0x38;
	[tilespmem:$0x1CF00] =	vst v63  }
0x2d: {  	_ =	swait.ge [sflag:s31], $0x2000  }
0x2e: {  	[sflag:s31] =	ssyncset.done $0x0  }
0x2f: {  	s21 =	rddreg [dreg:$0x6];
	[sflag:s31] =	ssyncadd.s32 $0xFFFFE000  }
0x30: {  	[spmem:s21] =	stream.linear.scatter [tilespmem:s30], [sflag:$0x7], $0x2000, $0x38;
	[tilespmem:$0x1CF00] =	vst v63  }
0x31: {  	_ =	swait.ge [sflag:s31], $0x2000  }
0x32: {  	[sflag:s31] =	ssyncset.done $0x0  }
0x33: {  	s18 =	rddreg [dreg:$0x7];
	[sflag:s31] =	ssyncadd.s32 $0xFFFFE000  }
0x34: {  	[spmem:s18] =	stream.linear.scatter [tilespmem:s30], [sflag:$0x7], $0x2000, $0x38;
	[tilespmem:$0x1CF00] =	vst v63  }
0x35: {  	_ =	swait.ge [sflag:s31], $0x2000  }
0x36: {  	[sflag:s31] =	ssyncset.done $0x0  }
0x37: {  	s19 =	rddreg [dreg:$0x8];
	[sflag:s31] =	ssyncadd.s32 $0xFFFFE000  }
0x38: {  	[spmem:s19] =	stream.linear.scatter [tilespmem:s30], [sflag:$0x7], $0x2000, $0x38;
	[tilespmem:$0x1CF00] =	vst v63  }
0x39: {  	_ =	swait.ge [sflag:s31], $0x2000  }
0x3a: {  	[sflag:s31] =	ssyncset.done $0x0  }
0x3b: {  	s20 =	rddreg [dreg:$0x9];
	[sflag:s31] =	ssyncadd.s32 $0xFFFFE000  }
0x3c: {  	[spmem:s20] =	stream.linear.scatter [tilespmem:s30], [sflag:$0x7], $0x2000, $0x38;
	[tilespmem:$0x1CF00] =	vst v63  }
0x3d: {  	_ =	swait.ge [sflag:s31], $0x2000  }
0x3e: {  	[sflag:s31] =	ssyncset.done $0x0  }
0x3f: {  	s21 =	rddreg [dreg:$0xa];
	[sflag:s31] =	ssyncadd.s32 $0xFFFFE000  }
0x40: {  	[spmem:s21] =	stream.linear.scatter [tilespmem:s30], [sflag:$0x7], $0x2000, $0x38;
	[tilespmem:$0x1CF00] =	vst v63  }
0x41: {  	_ =	swait.ge [sflag:s31], $0x2000  }
0x42: {  	[sflag:s31] =	ssyncset.done $0x0  }
0x43: {  	s18 =	rddreg [dreg:$0xb];
	[sflag:s31] =	ssyncadd.s32 $0xFFFFE000  }
0x44: {  	[spmem:s18] =	stream.linear.scatter [tilespmem:s30], [sflag:$0x7], $0x2000, $0x38;
	[tilespmem:$0x1CF00] =	vst v63  }
0x45: {  	_ =	swait.ge [sflag:s31], $0x2000  }
0x46: {  	[sflag:s31] =	ssyncset.done $0x0  }
0x47: {  	s19 =	rddreg [dreg:$0xc];
	[sflag:s31] =	ssyncadd.s32 $0xFFFFE000  }
0x48: {  	[spmem:s19] =	stream.linear.scatter [tilespmem:s30], [sflag:$0x7], $0x2000, $0x38;
	[tilespmem:$0x1CF00] =	vst v63  }
0x49: {  	_ =	swait.ge [sflag:s31], $0x2000  }
0x4a: {  	[sflag:s31] =	ssyncset.done $0x0  }
0x4b: {  	s20 =	rddreg [dreg:$0xd];
	[sflag:s31] =	ssyncadd.s32 $0xFFFFE000  }
0x4c: {  	[spmem:s20] =	stream.linear.scatter [tilespmem:s30], [sflag:$0x7], $0x2000, $0x38;
	[tilespmem:$0x1CF00] =	vst v63  }
0x4d: {  	_ =	swait.ge [sflag:s31], $0x2000  }
0x4e: {  	[sflag:s31] =	ssyncset.done $0x0  }
0x4f: {  	s21 =	rddreg [dreg:$0xe];
	[sflag:s31] =	ssyncadd.s32 $0xFFFFE000  }
0x50: {  	[spmem:s21] =	stream.linear.scatter [tilespmem:s30], [sflag:$0x7], $0x2000, $0x38;
	[tilespmem:$0x1CF00] =	vst v63  }
0x51: {  	_ =	swait.ge [sflag:s31], $0x2000  }
0x52: {  	[sflag:s31] =	ssyncset.done $0x0  }
0x53: {  	s18 =	rddreg [dreg:$0xf];
	[sflag:s31] =	ssyncadd.s32 $0xFFFFE000  }
0x54: {  	[spmem:s18] =	stream.linear.scatter [tilespmem:s30], [sflag:$0x7], $0x700, $0x38;
	[tilespmem:$0x1CF00] =	vst v63  }
0x55: {  	_ =	swait.ge [sflag:s31], $0x700  }
0x56: {  	[sflag:s31] =	ssyncset.done $0x0  }
0x57: {  	[sflag:s31] =	ssyncadd.s32 $0xFFFFF900  }
0x58: {  	[bflag:$0x0] =	sbarrier.arrive $0xFFFF  }
0x59: {  	s19 =	simm.s32 $0x0;
	s20 =	rddreg [dreg:$0x10]  }
0x5a: {  	[tilespmem:s19], [sflag:$0x5] =	stream.linear.gather [hbm4b:s20+s19], $0x200, $0x38;
	[tilespmem:$0x1CF00] =	vst v63  }
0x5b: {  	_ = 	snop  }
0x5c: {  	[tilespmem:s0], [sflag:$0x5] =	stream.linear.gather [hbm4b:s22+s19], $0x200, $0x38;
	[tilespmem:$0x1CF00] =	vst v63  }
0x5d: {  	_ =	swait.ge [sflag:s4], $0x200  }
0x5e: {  	[sflag:s4] =	ssyncset.done $0x0  }
0x5f: {  	[sflag:s4] =	ssyncadd.s32 $0xFFFFFE00  }
0x60: {  	_ =	swait.ge [sflag:s4], $0x200  }
0x61: {  	[sflag:s4] =	ssyncset.done $0x0  }
0x62: {  	[sflag:s4] =	ssyncadd.s32 $0xFFFFFE00  }
0x63: {  	[tilespmem:s30], [sflag:$0x1] =	stream.indirect.gather [hbm4b:s1+s0], $0x10, s19, s0, $0xb8;
	[tilespmem:$0x1CF00] =	vst v63  }
0x64: {  	_ = 	snop  }
0x65: {  	[tilespmem:s8], [sflag:$0x6] =	stream.linear.gather [hbm4b:s23+s19], $0x200, $0x38;
	[tilespmem:$0x1CF00] =	vst v63  }
0x66: {  	_ = 	snop  }
0x67: {  	[tilespmem:s9], [sflag:$0x6] =	stream.linear.gather [hbm4b:s24+s19], $0x200, $0x38;
	[tilespmem:$0x1CF00] =	vst v63  }
0x68: {  	_ =	swait.ge [sflag:s10], $0x200  }
0x69: {  	[sflag:s10] =	ssyncset.done $0x0  }
0x6a: {  	[sflag:s10] =	ssyncadd.s32 $0xFFFFFE00  }
0x6b: {  	_ =	swait.ge [sflag:s10], $0x200  }
0x6c: {  	[sflag:s10] =	ssyncset.done $0x0  }
0x6d: {  	[sflag:s10] =	ssyncadd.s32 $0xFFFFFE00  }
0x6e: {  	[tilespmem:s11], [sflag:$0x2] =	stream.indirect.gather [hbm4b:s1+s0], $0x10, s8, s0, $0xb8;
	[tilespmem:$0x1CF00] =	vst v63  }
0x6f: {  	_ =	swait.ge [sflag:s12], $0x2000  }
0x70: {  	[sflag:s12] =	ssyncset.done $0x0  }
0x71: {  	[sflag:s12] =	ssyncadd.s32 $0xFFFFE000  }
0x72: {  	[spmem:s2] =	stream.indirect.scatter.add.f32 [tilespmem:s30], [sflag:$0x3], $0x10, s0, s0, $0xb8;
	[tilespmem:$0x1CF00] =	vst v63  }
0x73: {  	_ =	swait.ge [sflag:s13], $0x2000  }
0x74: {  	s21 =	sshrl.u32 s29, $0x3;
	[sflag:s13] =	ssyncset.done $0x0  }
0x75: {  	s19 =	sadd.s32 s5, s21;
	[sflag:s13] =	ssyncadd.s32 $0xFFFFE000  }
0x76: {  	[tilespmem:s3], [sflag:$0x5] =	stream.linear.gather [hbm4b:s19+s3], $0x200, $0x38;
	[tilespmem:$0x1CF00] =	vst v63  }
0x77: {  	s17 =	sadd.s32 s6, s21  }
0x78: {  	[tilespmem:s0], [sflag:$0x5] =	stream.linear.gather [hbm4b:s17+s3], $0x200, $0x38;
	[tilespmem:$0x1CF00] =	vst v63  }
0x79: {  	_ =	swait.ge [sflag:s14], $0x2000  }
0x7a: {  	[sflag:s14] =	ssyncset.done $0x0  }
0x7b: {  	[sflag:s14] =	ssyncadd.s32 $0xFFFFE000  }
0x7c: {  	[spmem:s2] =	stream.indirect.scatter.add.f32 [tilespmem:s11], [sflag:$0x4], $0x10, s9, s0, $0xb8;
	[tilespmem:$0x1CF00] =	vst v63  }
0x7d: {  	_ =	swait.ge [sflag:s15], $0x2000  }
0x7e: {  	[sflag:s15] =	ssyncset.done $0x0  }
0x7f: {  	s20 =	sadd.s32 $0x0, s28;
	[sflag:s15] =	ssyncadd.s32 $0xFFFFE000  }
0x80: {  	[tilespmem:s8], [sflag:$0x6] =	stream.linear.gather [hbm4b:s20+s3], $0x200, $0x38;
	[tilespmem:$0x1CF00] =	vst v63  }
0x81: {  	s21 =	sadd.s32 $0x0, s26  }
0x82: {  	[tilespmem:s9], [sflag:$0x6] =	stream.linear.gather [hbm4b:s21+s3], $0x200, $0x38;
	[tilespmem:$0x1CF00] =	vst v63  }
0x83: {  	_ =	swait.ge [sflag:s4], $0x200  }
0x84: {  	[sflag:s4] =	ssyncset.done $0x0  }
0x85: {  	[sflag:s4] =	ssyncadd.s32 $0xFFFFFE00  }
0x86: {  	_ =	swait.ge [sflag:s4], $0x200  }
0x87: {  	[sflag:s4] =	ssyncset.done $0x0  }
0x88: {  	s18 =	sadd.s32 $0x400, s29;
	s17 =	simm.s32 $0x80;
	[sflag:s4] =	ssyncadd.s32 $0xFFFFFE00  }
.LBB2_4:
0x89: {  	[tilespmem:s30], [sflag:$0x1] =	stream.indirect.gather [hbm4b:s1+s0], $0x10, s3, s0, $0xb8;
	[tilespmem:$0x1CF00] =	vst v63  }
0x8a: {  	s19 =	smov.u32 s17  }
0x8b: {  	p0 =	sne.s32 s17, $0x3080;
	s17 =	sadd.s32 $0x80, s17;
	_ =	swait.ge [sflag:s10], $0x200  }
0x8c: {  	[sflag:s10] =	ssyncset.done $0x0  }
0x8d: {  	[sflag:s10] =	ssyncadd.s32 $0xFFFFFE00  }
0x8e: {  	_ =	swait.ge [sflag:s10], $0x200  }
0x8f: {  	[sflag:s10] =	ssyncset.done $0x0  }
0x90: {  	[sflag:s10] =	ssyncadd.s32 $0xFFFFFE00  }
0x91: {  	[tilespmem:s11], [sflag:$0x2] =	stream.indirect.gather [hbm4b:s1+s0], $0x10, s8, s0, $0xb8;
	[tilespmem:$0x1CF00] =	vst v63  }
0x92: {  	_ =	swait.ge [sflag:s12], $0x2000  }
0x93: {  	[sflag:s12] =	ssyncset.done $0x0  }
0x94: {  	[sflag:s12] =	ssyncadd.s32 $0xFFFFE000  }
0x95: {  	[spmem:s2] =	stream.indirect.scatter.add.f32 [tilespmem:s30], [sflag:$0x3], $0x10, s0, s0, $0xb8;
	[tilespmem:$0x1CF00] =	vst v63  }
0x96: {  	_ =	swait.ge [sflag:s13], $0x2000  }
0x97: {  	s20 =	sshrl.u32 s18, $0x3;
	[sflag:s13] =	ssyncset.done $0x0  }
0x98: {  	s21 =	sadd.s32 s5, s20;
	[sflag:s13] =	ssyncadd.s32 $0xFFFFE000  }
0x99: {  	[tilespmem:s3], [sflag:$0x5] =	stream.linear.gather [hbm4b:s21+s3], $0x200, $0x38;
	[tilespmem:$0x1CF00] =	vst v63  }
0x9a: {  	s20 =	sadd.s32 s6, s20  }
0x9b: {  	[tilespmem:s0], [sflag:$0x5] =	stream.linear.gather [hbm4b:s20+s3], $0x200, $0x38;
	[tilespmem:$0x1CF00] =	vst v63  }
0x9c: {  	_ =	swait.ge [sflag:s14], $0x2000  }
0x9d: {  	[sflag:s14] =	ssyncset.done $0x0  }
0x9e: {  	[sflag:s14] =	ssyncadd.s32 $0xFFFFE000  }
0x9f: {  	[spmem:s2] =	stream.indirect.scatter.add.f32 [tilespmem:s11], [sflag:$0x4], $0x10, s9, s0, $0xb8;
	[tilespmem:$0x1CF00] =	vst v63  }
0xa0: {  	_ =	swait.ge [sflag:s15], $0x2000  }
0xa1: {  	[sflag:s15] =	ssyncset.done $0x0  }
0xa2: {  	s20 =	sadd.s32 s19, s28;
	[sflag:s15] =	ssyncadd.s32 $0xFFFFE000  }
0xa3: {  	[tilespmem:s8], [sflag:$0x6] =	stream.linear.gather [hbm4b:s20+s3], $0x200, $0x38;
	[tilespmem:$0x1CF00] =	vst v63  }
0xa4: {  	s19 =	sadd.s32 s19, s26  }
0xa5: {  	[tilespmem:s9], [sflag:$0x6] =	stream.linear.gather [hbm4b:s19+s3], $0x200, $0x38;
	[tilespmem:$0x1CF00] =	vst v63  }
0xa6: {  	_ =	swait.ge [sflag:s4], $0x200  }
.Ltmp1:
0xa7: {  	[sflag:s4] =	ssyncset.done $0x0;
	(pc) =	sbr.rel @p0 .LBB2_4-.Ltmp1, $4  }
0xa8: {  	[sflag:s4] =	ssyncadd.s32 $0xFFFFFE00  }
0xa9: {  	_ =	swait.ge [sflag:s4], $0x200  }
0xaa: {  	[sflag:s4] =	ssyncset.done $0x0  }
0xab: {  	s18 =	sadd.s32 $0x400, s18;
	[sflag:s4] =	ssyncadd.s32 $0xFFFFFE00  }
0xac: {  	[tilespmem:s30], [sflag:$0x1] =	stream.indirect.gather [hbm4b:s1+s0], $0x10, s3, s0, $0xb8;
	[tilespmem:$0x1CF00] =	vst v63  }
0xad: {  	_ =	swait.ge [sflag:s12], $0x2000  }
0xae: {  	[sflag:s12] =	ssyncset.done $0x0  }
0xaf: {  	[sflag:s12] =	ssyncadd.s32 $0xFFFFE000  }
0xb0: {  	_ =	swait.ge [sflag:s10], $0x200  }
0xb1: {  	[sflag:s10] =	ssyncset.done $0x0  }
0xb2: {  	[sflag:s10] =	ssyncadd.s32 $0xFFFFFE00  }
0xb3: {  	_ =	swait.ge [sflag:s10], $0x200  }
0xb4: {  	s17 =	stileid.u32;
	[sflag:s10] =	ssyncset.done $0x0  }
0xb5: {  	s18 =	sshrl.u32 s7, $0x3;
	s16 =	sadd.s32 $0x1, s16;
	[sflag:s10] =	ssyncadd.s32 $0xFFFFFE00  }
0xb6: {  	s17 =	sshll.u32 s17, $0x6;
	p0 =	sne.s32 s16, s25;
	[bflag:$0x0] =	sbarrier.arrive $0xFFFF  }
.Ltmp2:
0xb7: {  	s17 =	sor.u32 $0x1C07, s17;
	s19 =	rddreg [dreg:$0x11];
	(pc) =	sbr.rel @p0 .LBB2_1-.Ltmp2, $4  }
0xb8: {  	[hbm:s19], [sflag:s17] =	dma.local [spmem:s18], $0x30E0  }
0xb9: {  	_ =	swait.ge [sflag:s31], $0x30E0  }
0xba: {  	[sflag:s31] =	ssyncset.done $0x0  }
0xbb: {  	[sflag:s31] =	ssyncadd.s32 $0xFFFFCF20  }
0xbc: {  	_ =	sfence.sel $0x180000  }
0xbd: {  	[bflag:$0x0] =	sbarrier.arrive $0xFFFF  }
0xbe: {  	_ =	strace $0x9000004A  }
0xbf: {  	s0 =	stileid.u32;
	[bflag:$0x2] =	sbarrier.arrive $0xFFFF  }
0xc0: {  	p0 =	sne.s32 s0, $0x0;
	s0 =	rddreg [dreg:$0x3]  }
0xc1: {  	s0 =	sadd.s32 @!p0 $0x100000, s0  }
0xc2: {  	[sflag:s0] =	ssyncadd.tile.s32 @!p0 $0x1;
	_ =	shalt  }
.Lfunc_end2:
_tile_overlayer_lowered:
.L_overlay_start_2:
0xc3: {  	(tag) =	ssettag $0x2  }
0xc4: {  	s0 =	rddreg [dreg:$0x0];
	s2 =	stileid.u32  }
0xc5: {  	s1 =	rddreg [dreg:$0x1];
	p0 =	sne.s32 s2, $0x0  }
0xc6: {  	s3 =	rddreg [dreg:$0x2];
	[bflag:$0x3] =	sbarrier.arrive $0xFFFF;
	s2 =	simm.s32 @!p0 $0x1C07  }
0xc7: {  	[timem:s3], [sflag:s2] =	dma.local @!p0 [hbm:s0], s1  }
0xc8: {  	s0 =	simm.s32 @!p0 $0x7  }
0xc9: {  	_ =	swait.ge @!p0 [sflag:s0], s1  }
0xca: {  	s1 =	ssub.s32 @!p0 $0x0, s1;
	[sflag:s0] =	ssyncset.done @!p0 $0x0  }
0xcb: {  	[sflag:s0] =	ssyncadd.s32 @!p0 s1  }
0xcc: {  	[bflag:$0x3] =	sbarrier.arrive $0xFFFF  }
0xcd: {  	_ =	shalt  }

</sc_bundles>
